<compile_context>
chip_gen: v7x
topology: tpu7x:2x2x1
jax: 0.10.2.dev20260603
libtpu: 0.0.44.dev20260713+nightly
codegen_flags: <defaults>
</compile_context>

<pallas_src>
import functools

import jax
import jax.numpy as jnp
from jax import lax
from jax.experimental import pallas as pl
from jax.experimental.pallas import tpu as pltpu
from jax.experimental.pallas import tpu_sc as plsc

N_NODES = 10000
D = 128
N_EDGES = 320000

NC = 2
NS = 16
CH = 128
CPW = 80
EDGES_PER_W = CPW * CH
E_PAD = EDGES_PER_W * NC * NS

ACC_ROWS = 10240
RPS = ACC_ROWS // NS

BR = 1000


def _sc_aggregate(feats, src1d, dst1d, zeros_d):
    mesh = plsc.VectorSubcoreMesh(core_axis_name="c", subcore_axis_name="s")

    @functools.partial(
        pl.kernel, mesh=mesh,
        out_type=[jax.ShapeDtypeStruct((NC * ACC_ROWS, D), jnp.float32)],
        scratch_types=[
            pltpu.VMEM((CH,), jnp.int32),
            pltpu.VMEM((CH,), jnp.int32),
            pltpu.VMEM((CH,), jnp.int32),
            pltpu.VMEM((CH,), jnp.int32),
            pltpu.VMEM((CH, D), jnp.float32),
            pltpu.VMEM_SHARED((ACC_ROWS, D), jnp.float32),
            pltpu.SemaphoreType.DMA,
            pltpu.SemaphoreType.DMA,
            pltpu.SemaphoreType.DMA,
        ])
    def k(feats_hbm, src_hbm, dst_hbm, z_hbm, agg_hbm,
          s0, d0, s1, d1, msg_v, acc_sh, sg, si0, si1):
        c = lax.axis_index("c")
        s = lax.axis_index("s")

        pltpu.sync_copy(z_hbm, acc_sh.at[pl.ds(s * RPS, RPS)])
        plsc.subcore_barrier()

        base_e = (c * NS + s) * EDGES_PER_W

        def idx_load(off, sv, dv, si):
            pltpu.async_copy(src_hbm.at[pl.ds(off, CH)], sv, si)
            pltpu.async_copy(dst_hbm.at[pl.ds(off, CH)], dv, si)

        def idx_wait(off, sv, dv, si):
            pltpu.make_async_copy(src_hbm.at[pl.ds(off, CH)], sv, si).wait()
            pltpu.make_async_copy(dst_hbm.at[pl.ds(off, CH)], dv, si).wait()

        idx_load(base_e, s0, d0, si0)
        idx_load(base_e + CH, s1, d1, si1)

        @pl.loop(0, CPW // 2)
        def _(kk):
            off_a = base_e + 2 * kk * CH
            idx_wait(off_a, s0, d0, si0)
            pltpu.async_copy(feats_hbm.at[s0], msg_v, sg).wait()
            pltpu.sync_copy(msg_v, acc_sh.at[d0], add=True)
            nxt_a = base_e + jnp.minimum(2 * kk + 2, CPW - 1) * CH
            idx_load(nxt_a, s0, d0, si0)

            off_b = off_a + CH
            idx_wait(off_b, s1, d1, si1)
            pltpu.async_copy(feats_hbm.at[s1], msg_v, sg).wait()
            pltpu.sync_copy(msg_v, acc_sh.at[d1], add=True)
            nxt_b = base_e + jnp.minimum(2 * kk + 3, CPW - 1) * CH
            idx_load(nxt_b, s1, d1, si1)

        tail = base_e + (CPW - 1) * CH
        idx_wait(tail, s0, d0, si0)
        idx_wait(tail, s1, d1, si1)

        plsc.subcore_barrier()
        pltpu.sync_copy(acc_sh.at[pl.ds(s * RPS, RPS)],
                        agg_hbm.at[pl.ds(c * ACC_ROWS + s * RPS, RPS)])

    return k(feats, src1d, dst1d, zeros_d)[0]


def _sc_count(dst1d, zeros_d, ones_d):
    mesh = plsc.VectorSubcoreMesh(core_axis_name="c", subcore_axis_name="s")

    @functools.partial(
        pl.kernel, mesh=mesh,
        out_type=[jax.ShapeDtypeStruct((NC * ACC_ROWS, D), jnp.float32)],
        scratch_types=[
            pltpu.VMEM((CH,), jnp.int32),
            pltpu.VMEM((CH, D), jnp.float32),
            pltpu.VMEM_SHARED((ACC_ROWS, D), jnp.float32),
        ])
    def k(dst_hbm, z_hbm, ones_hbm, cnt_hbm, dst_v, ones_v, acc_sh):
        c = lax.axis_index("c")
        s = lax.axis_index("s")

        pltpu.sync_copy(z_hbm, acc_sh.at[pl.ds(s * RPS, RPS)])
        pltpu.sync_copy(ones_hbm, ones_v)
        plsc.subcore_barrier()

        base_e = (c * NS + s) * EDGES_PER_W

        @pl.loop(0, CPW)
        def _(i):
            off = base_e + i * CH
            pltpu.sync_copy(dst_hbm.at[pl.ds(off, CH)], dst_v)
            pltpu.sync_copy(ones_v, acc_sh.at[dst_v], add=True)

        plsc.subcore_barrier()
        pltpu.sync_copy(acc_sh.at[pl.ds(s * RPS, RPS)],
                        cnt_hbm.at[pl.ds(c * ACC_ROWS + s * RPS, RPS)])

    return k(dst1d, zeros_d, ones_d)[0]


def _tc_layer1(agg, cnt, x, W_l, b, W_r):
    def body(agg_ref, cnt_ref, x_ref, wl_ref, b_ref, wr_ref, h_ref, rcp_ref):
        a = agg_ref[0] + agg_ref[1]
        cn = cnt_ref[0] + cnt_ref[1]
        rb = 1.0 / jnp.maximum(cn, 1.0)
        mean = a * rb
        h = (jnp.dot(mean, wl_ref[...], preferred_element_type=jnp.float32)
             + b_ref[...]
             + jnp.dot(x_ref[...], wr_ref[...],
                       preferred_element_type=jnp.float32))
        h_ref[...] = jnp.maximum(h, 0.0)
        rcp_ref[...] = rb

    grid = (N_NODES // BR,)
    return pl.pallas_call(
        body,
        grid=grid,
        in_specs=[
            pl.BlockSpec((NC, BR, D), lambda i: (0, i, 0)),
            pl.BlockSpec((NC, BR, D), lambda i: (0, i, 0)),
            pl.BlockSpec((BR, D), lambda i: (i, 0)),
            pl.BlockSpec((D, D), lambda i: (0, 0)),
            pl.BlockSpec((1, D), lambda i: (0, 0)),
            pl.BlockSpec((D, D), lambda i: (0, 0)),
        ],
        out_specs=[
            pl.BlockSpec((BR, D), lambda i: (i, 0)),
            pl.BlockSpec((BR, D), lambda i: (i, 0)),
        ],
        out_shape=[
            jax.ShapeDtypeStruct((N_NODES, D), jnp.float32),
            jax.ShapeDtypeStruct((N_NODES, D), jnp.float32),
        ],
    )(agg, cnt, x, W_l, b, W_r)


def _tc_layer2(agg, rcp, h, W_l, b, W_r):
    def body(agg_ref, rcp_ref, h_ref, wl_ref, b_ref, wr_ref, out_ref):
        a = agg_ref[0] + agg_ref[1]
        mean = a * rcp_ref[...]
        out_ref[...] = (
            jnp.dot(mean, wl_ref[...], preferred_element_type=jnp.float32)
            + b_ref[...]
            + jnp.dot(h_ref[...], wr_ref[...],
                      preferred_element_type=jnp.float32))

    grid = (N_NODES // BR,)
    return pl.pallas_call(
        body,
        grid=grid,
        in_specs=[
            pl.BlockSpec((NC, BR, D), lambda i: (0, i, 0)),
            pl.BlockSpec((BR, D), lambda i: (i, 0)),
            pl.BlockSpec((BR, D), lambda i: (i, 0)),
            pl.BlockSpec((D, D), lambda i: (0, 0)),
            pl.BlockSpec((1, D), lambda i: (0, 0)),
            pl.BlockSpec((D, D), lambda i: (0, 0)),
        ],
        out_specs=pl.BlockSpec((BR, D), lambda i: (i, 0)),
        out_shape=jax.ShapeDtypeStruct((N_NODES, D), jnp.float32),
    )(agg, rcp, h, W_l, b, W_r)


def kernel(x, edge_index, W_l1, b_l1, W_r1, W_l2, b_l2, W_r2):
    src = edge_index[0]
    dst = edge_index[1]
    pad = E_PAD - N_EDGES
    src1d = jnp.concatenate([src, jnp.zeros((pad,), jnp.int32)])
    dst1d = jnp.concatenate([dst, jnp.full((pad,), N_NODES, jnp.int32)])

    zeros_d = jnp.zeros((RPS, D), jnp.float32)
    ones_d = jnp.ones((CH, D), jnp.float32)

    cnt = _sc_count(dst1d, zeros_d, ones_d).reshape(NC, ACC_ROWS, D)
    agg1 = _sc_aggregate(x, src1d, dst1d, zeros_d).reshape(NC, ACC_ROWS, D)
    h, rcp = _tc_layer1(agg1, cnt, x, W_l1, b_l1.reshape(1, D), W_r1)

    agg2 = _sc_aggregate(h, src1d, dst1d, zeros_d).reshape(NC, ACC_ROWS, D)
    out = _tc_layer2(agg2, rcp, h, W_l2, b_l2.reshape(1, D), W_r2)
    return out

# --- scband reference (transcript-rebuilt; emitter-appended) ---
"""Pipeline reference for scband-gnnmodel-16827681865964 (READ-ONLY COPY).

The authoritative reference and input builder live on the scoring server;
editing this copy changes nothing except your own understanding.
"""

import jax, jax.numpy as jnp
import numpy as np

N_NODES = 10000
N_EDGES = 320000
D_IN = 128
D_HID = 128


def setup_inputs(seed: int = 0) -> dict:
    key = jax.random.key(seed)
    ks = jax.random.split(key, 9)
    x = jax.random.normal(ks[0], (N_NODES, D_IN), dtype=jnp.float32)
    edge_index = jax.random.randint(ks[1], (2, N_EDGES), 0, N_NODES, dtype=jnp.int32)
    s_in = 1.0 / np.sqrt(D_IN)
    s_hid = 1.0 / np.sqrt(D_HID)
    # SAGEConv layer 1: lin_l (applied to aggregated neighbors, has bias), lin_r (root, no bias)
    W_l1 = jax.random.uniform(ks[2], (D_IN, D_HID), dtype=jnp.float32, minval=-s_in, maxval=s_in)
    b_l1 = jax.random.uniform(ks[3], (D_HID,), dtype=jnp.float32, minval=-s_in, maxval=s_in)
    W_r1 = jax.random.uniform(ks[4], (D_IN, D_HID), dtype=jnp.float32, minval=-s_in, maxval=s_in)
    # SAGEConv layer 2
    W_l2 = jax.random.uniform(ks[5], (D_HID, D_HID), dtype=jnp.float32, minval=-s_hid, maxval=s_hid)
    b_l2 = jax.random.uniform(ks[6], (D_HID,), dtype=jnp.float32, minval=-s_hid, maxval=s_hid)
    W_r2 = jax.random.uniform(ks[7], (D_HID, D_HID), dtype=jnp.float32, minval=-s_hid, maxval=s_hid)
    return {"x": x, "edge_index": edge_index, "W_l1": W_l1, "b_l1": b_l1, "W_r1": W_r1,
            "W_l2": W_l2, "b_l2": b_l2, "W_r2": W_r2}


def _sage_conv(x, edge_index, W_l, b_l, W_r, num_nodes):
    # GraphSAGE with mean aggregation (PyG SAGEConv default):
    # out = lin_l(mean_{j in N(i)} x_j) + lin_r(x_i)
    src = edge_index[0]
    dst = edge_index[1]
    msgs = jnp.take(x, src, axis=0)  # gather source features
    agg = jax.ops.segment_sum(msgs, dst, num_segments=num_nodes)  # scatter-add by dst
    cnt = jax.ops.segment_sum(jnp.ones((msgs.shape[0], 1), dtype=x.dtype), dst, num_segments=num_nodes)
    mean_agg = agg / jnp.clip(cnt, 1.0, None)
    return mean_agg @ W_l + b_l + x @ W_r


def reference(x, edge_index, W_l1, b_l1, W_r1, W_l2, b_l2, W_r2):
    num_nodes = x.shape[0]
    h = jax.nn.relu(_sage_conv(x, edge_index, W_l1, b_l1, W_r1, num_nodes))
    out = _sage_conv(h, edge_index, W_l2, b_l2, W_r2, num_nodes)
    return out

if __name__ == "__main__":
    import jax
    _d = setup_inputs()
    print(jax.jit(kernel)(*tuple(_d.values())))

</pallas_src>

<mosaic_0001>
#map = affine_map<(d0, d1) -> (0, 0)>
#map1 = affine_map<(d0, d1) -> (0)>
module attributes {stable_mosaic.version = 14 : i64} {
  func.func @k(%arg0: i32, %arg1: i32, %arg2: memref<10000x128xf32, #tpu.memory_space<hbm>>, %arg3: memref<327680xi32, #tpu.memory_space<hbm>>, %arg4: memref<327680xi32, #tpu.memory_space<hbm>>, %arg5: memref<640x128xf32, #tpu.memory_space<hbm>>, %arg6: memref<20480x128xf32, #tpu.memory_space<hbm>>, %arg7: memref<128xi32, #tpu.memory_space<vmem>>, %arg8: memref<128xi32, #tpu.memory_space<vmem>>, %arg9: memref<128xi32, #tpu.memory_space<vmem>>, %arg10: memref<128xi32, #tpu.memory_space<vmem>>, %arg11: memref<128x128xf32, #tpu.memory_space<vmem>>, %arg12: memref<10240x128xf32, #tpu.memory_space<vmem_shared>>, %arg13: memref<!tpu.dma_semaphore, #tpu.memory_space<semaphore_mem>>, %arg14: memref<!tpu.dma_semaphore, #tpu.memory_space<semaphore_mem>>, %arg15: memref<!tpu.dma_semaphore, #tpu.memory_space<semaphore_mem>>) attributes {dimension_semantics = [#tpu.dimension_semantics<core_parallel>, #tpu.dimension_semantics<subcore_parallel>], iteration_bounds = array<i64: 2, 16>, scalar_prefetch = 0 : i64, scratch_operands = 9 : i64, tpu.core_type = #tpu.core_type<sc_vector_subcore>, window_params = [{transform_indices = #map}, {transform_indices = #map1}, {transform_indices = #map1}, {transform_indices = #map}, {transform_indices = #map}]} {
    %mul3A = arith.constant 640 : i32
    %mul3A_0 = arith.muli %arg1, %mul3A : i32
    "tpu.region"() ({
      %run_scoped3A = tpu.sem_alloc : memref<!tpu.dma_semaphore, #tpu.memory_space<semaphore_mem>>
      %dma_start3A_35 = arith.constant 0 : i32
      %dma_start3A_36 = tpu.memref_slice %arg12[%mul3A_0, %dma_start3A_35] : memref<10240x128xf32, #tpu.memory_space<vmem_shared>> -> memref<640x128xf32, #tpu.memory_space<vmem_shared>>
      tpu.enqueue_dma source(%arg5 : memref<640x128xf32, #tpu.memory_space<hbm>>) target(%dma_start3A_36 : memref<640x128xf32, #tpu.memory_space<vmem_shared>>) target_semaphore(%run_scoped3A : memref<!tpu.dma_semaphore, #tpu.memory_space<semaphore_mem>>)
      %dma_wait3A_37 = arith.constant 0 : i32
      %dma_wait3A_38 = tpu.memref_slice %arg12[%mul3A_0, %dma_wait3A_37] : memref<10240x128xf32, #tpu.memory_space<vmem_shared>> -> memref<640x128xf32, #tpu.memory_space<vmem_shared>>
      tpu.wait_dma2 semaphore(%run_scoped3A : memref<!tpu.dma_semaphore, #tpu.memory_space<semaphore_mem>>) src(%arg5 : memref<640x128xf32, #tpu.memory_space<hbm>>) dst(%dma_wait3A_38 : memref<640x128xf32, #tpu.memory_space<vmem_shared>>)
      tpu.yield
    }) : () -> ()
    %barrier3A = arith.constant 0 : index
    tpu.barrier barrier_id(%barrier3A)
    %mul3A_1 = arith.constant 16 : i32
    %mul3A_2 = arith.muli %arg0, %mul3A_1 : i32
    %add3A = arith.addi %mul3A_2, %arg1 : i32
    %mul3A_3 = arith.constant 10240 : i32
    %mul3A_4 = arith.muli %add3A, %mul3A_3 : i32
    %dma_start3A = tpu.memref_slice %arg3[%mul3A_4] : memref<327680xi32, #tpu.memory_space<hbm>> -> memref<128xi32, #tpu.memory_space<hbm>>
    %dma_start3A_5 = tpu.memref_slice %arg3[%mul3A_4] : memref<327680xi32, #tpu.memory_space<hbm>> -> memref<128xi32, #tpu.memory_space<hbm>>
    tpu.enqueue_dma source(%dma_start3A_5 : memref<128xi32, #tpu.memory_space<hbm>>) target(%arg7 : memref<128xi32, #tpu.memory_space<vmem>>) target_semaphore(%arg14 : memref<!tpu.dma_semaphore, #tpu.memory_space<semaphore_mem>>)
    %dma_start3A_6 = tpu.memref_slice %arg4[%mul3A_4] : memref<327680xi32, #tpu.memory_space<hbm>> -> memref<128xi32, #tpu.memory_space<hbm>>
    %dma_start3A_7 = tpu.memref_slice %arg4[%mul3A_4] : memref<327680xi32, #tpu.memory_space<hbm>> -> memref<128xi32, #tpu.memory_space<hbm>>
    tpu.enqueue_dma source(%dma_start3A_7 : memref<128xi32, #tpu.memory_space<hbm>>) target(%arg8 : memref<128xi32, #tpu.memory_space<vmem>>) target_semaphore(%arg14 : memref<!tpu.dma_semaphore, #tpu.memory_space<semaphore_mem>>)
    %add3A_8 = arith.constant 128 : i32
    %add3A_9 = arith.addi %mul3A_4, %add3A_8 : i32
    %dma_start3A_10 = tpu.memref_slice %arg3[%add3A_9] : memref<327680xi32, #tpu.memory_space<hbm>> -> memref<128xi32, #tpu.memory_space<hbm>>
    %dma_start3A_11 = tpu.memref_slice %arg3[%add3A_9] : memref<327680xi32, #tpu.memory_space<hbm>> -> memref<128xi32, #tpu.memory_space<hbm>>
    tpu.enqueue_dma source(%dma_start3A_11 : memref<128xi32, #tpu.memory_space<hbm>>) target(%arg9 : memref<128xi32, #tpu.memory_space<vmem>>) target_semaphore(%arg15 : memref<!tpu.dma_semaphore, #tpu.memory_space<semaphore_mem>>)
    %dma_start3A_12 = tpu.memref_slice %arg4[%add3A_9] : memref<327680xi32, #tpu.memory_space<hbm>> -> memref<128xi32, #tpu.memory_space<hbm>>
    %dma_start3A_13 = tpu.memref_slice %arg4[%add3A_9] : memref<327680xi32, #tpu.memory_space<hbm>> -> memref<128xi32, #tpu.memory_space<hbm>>
    tpu.enqueue_dma source(%dma_start3A_13 : memref<128xi32, #tpu.memory_space<hbm>>) target(%arg10 : memref<128xi32, #tpu.memory_space<vmem>>) target_semaphore(%arg15 : memref<!tpu.dma_semaphore, #tpu.memory_space<semaphore_mem>>)
    %scan3A = arith.constant 0 : i32
    %scan3A_14 = arith.constant 40 : i32
    %scan3A_15 = arith.addi %scan3A, %scan3A_14 : i32
    %scan3A_16 = arith.constant 1 : i32
    scf.for %scan3A_35 = %scan3A to %scan3A_15 step %scan3A_16  : i32 {
      %mul3A_36 = arith.constant 1 : i32
      %mul3A_37 = arith.muli %scan3A_35, %mul3A_36 : i32
      %add3A_38 = arith.constant 0 : i32
      %add3A_39 = arith.addi %add3A_38, %mul3A_37 : i32
      %mul3A_40 = arith.constant 2 : i32
      %mul3A_41 = arith.muli %mul3A_40, %add3A_39 : i32
      %mul3A_42 = arith.constant 128 : i32
      %mul3A_43 = arith.muli %mul3A_41, %mul3A_42 : i32
      %add3A_44 = arith.addi %mul3A_4, %mul3A_43 : i32
      %dma_wait3A_45 = tpu.memref_slice %arg3[%add3A_44] : memref<327680xi32, #tpu.memory_space<hbm>> -> memref<128xi32, #tpu.memory_space<hbm>>
      %dma_wait3A_46 = tpu.memref_slice %arg3[%add3A_44] : memref<327680xi32, #tpu.memory_space<hbm>> -> memref<128xi32, #tpu.memory_space<hbm>>
      tpu.wait_dma2 semaphore(%arg14 : memref<!tpu.dma_semaphore, #tpu.memory_space<semaphore_mem>>) src(%dma_wait3A_46 : memref<128xi32, #tpu.memory_space<hbm>>) dst(%arg7 : memref<128xi32, #tpu.memory_space<vmem>>)
      %dma_wait3A_47 = tpu.memref_slice %arg4[%add3A_44] : memref<327680xi32, #tpu.memory_space<hbm>> -> memref<128xi32, #tpu.memory_space<hbm>>
      %dma_wait3A_48 = tpu.memref_slice %arg4[%add3A_44] : memref<327680xi32, #tpu.memory_space<hbm>> -> memref<128xi32, #tpu.memory_space<hbm>>
      tpu.wait_dma2 semaphore(%arg14 : memref<!tpu.dma_semaphore, #tpu.memory_space<semaphore_mem>>) src(%dma_wait3A_48 : memref<128xi32, #tpu.memory_space<hbm>>) dst(%arg8 : memref<128xi32, #tpu.memory_space<vmem>>)
      %dma_start3A_49 = arith.constant 0 : i32
      %dma_start3A_50 = arith.constant 0 : i32
      %dma_start3A_51 = tpu.memref_slice %arg2[%dma_start3A_49, %dma_start3A_50] : memref<10000x128xf32, #tpu.memory_space<hbm>> -> memref<10000x128xf32, #tpu.memory_space<hbm>>
      tpu.enqueue_indirect_dma source(%dma_start3A_51 : memref<10000x128xf32, #tpu.memory_space<hbm>>) target(%arg11 : memref<128x128xf32, #tpu.memory_space<vmem>>) offsets(%arg7 : memref<128xi32, #tpu.memory_space<vmem>>) semaphore(%arg13 : memref<!tpu.dma_semaphore, #tpu.memory_space<semaphore_mem>>)
      %dma_wait3A_52 = arith.constant 0 : i32
      %dma_wait3A_53 = arith.constant 0 : i32
      %dma_wait3A_54 = tpu.memref_slice %arg2[%dma_wait3A_52, %dma_wait3A_53] : memref<10000x128xf32, #tpu.memory_space<hbm>> -> memref<10000x128xf32, #tpu.memory_space<hbm>>
      tpu.wait_indirect_dma semaphore(%arg13 : memref<!tpu.dma_semaphore, #tpu.memory_space<semaphore_mem>>) src(%dma_wait3A_54 : memref<10000x128xf32, #tpu.memory_space<hbm>>) dst(%arg11 : memref<128x128xf32, #tpu.memory_space<vmem>>)
      "tpu.region"() ({
        %run_scoped3A = tpu.sem_alloc : memref<!tpu.dma_semaphore, #tpu.memory_space<semaphore_mem>>
        %dma_start3A_92 = arith.constant 0 : i32
        %dma_start3A_93 = arith.constant 0 : i32
        %dma_start3A_94 = tpu.memref_slice %arg12[%dma_start3A_92, %dma_start3A_93] : memref<10240x128xf32, #tpu.memory_space<vmem_shared>> -> memref<10240x128xf32, #tpu.memory_space<vmem_shared>>
        tpu.enqueue_indirect_dma source(%arg11 : memref<128x128xf32, #tpu.memory_space<vmem>>) target(%dma_start3A_94 : memref<10240x128xf32, #tpu.memory_space<vmem_shared>>) offsets(%arg8 : memref<128xi32, #tpu.memory_space<vmem>>) semaphore(%run_scoped3A : memref<!tpu.dma_semaphore, #tpu.memory_space<semaphore_mem>>) {add = true}
        %dma_wait3A_95 = arith.constant 0 : i32
        %dma_wait3A_96 = arith.constant 0 : i32
        %dma_wait3A_97 = tpu.memref_slice %arg12[%dma_wait3A_95, %dma_wait3A_96] : memref<10240x128xf32, #tpu.memory_space<vmem_shared>> -> memref<10240x128xf32, #tpu.memory_space<vmem_shared>>
        tpu.wait_indirect_dma semaphore(%run_scoped3A : memref<!tpu.dma_semaphore, #tpu.memory_space<semaphore_mem>>) src(%arg11 : memref<128x128xf32, #tpu.memory_space<vmem>>) dst(%dma_wait3A_97 : memref<10240x128xf32, #tpu.memory_space<vmem_shared>>)
        tpu.yield
      }) : () -> ()
      %mul3A_55 = arith.constant 2 : i32
      %mul3A_56 = arith.muli %mul3A_55, %add3A_39 : i32
      %add3A_57 = arith.constant 2 : i32
      %add3A_58 = arith.addi %mul3A_56, %add3A_57 : i32
      %min3A = arith.constant 79 : i32
      %min3A_59 = arith.minsi %add3A_58, %min3A : i32
      %mul3A_60 = arith.constant 128 : i32
      %mul3A_61 = arith.muli %min3A_59, %mul3A_60 : i32
      %add3A_62 = arith.addi %mul3A_4, %mul3A_61 : i32
      %dma_start3A_63 = tpu.memref_slice %arg3[%add3A_62] : memref<327680xi32, #tpu.memory_space<hbm>> -> memref<128xi32, #tpu.memory_space<hbm>>
      %dma_start3A_64 = tpu.memref_slice %arg3[%add3A_62] : memref<327680xi32, #tpu.memory_space<hbm>> -> memref<128xi32, #tpu.memory_space<hbm>>
      tpu.enqueue_dma source(%dma_start3A_64 : memref<128xi32, #tpu.memory_space<hbm>>) target(%arg7 : memref<128xi32, #tpu.memory_space<vmem>>) target_semaphore(%arg14 : memref<!tpu.dma_semaphore, #tpu.memory_space<semaphore_mem>>)
      %dma_start3A_65 = tpu.memref_slice %arg4[%add3A_62] : memref<327680xi32, #tpu.memory_space<hbm>> -> memref<128xi32, #tpu.memory_space<hbm>>
      %dma_start3A_66 = tpu.memref_slice %arg4[%add3A_62] : memref<327680xi32, #tpu.memory_space<hbm>> -> memref<128xi32, #tpu.memory_space<hbm>>
      tpu.enqueue_dma source(%dma_start3A_66 : memref<128xi32, #tpu.memory_space<hbm>>) target(%arg8 : memref<128xi32, #tpu.memory_space<vmem>>) target_semaphore(%arg14 : memref<!tpu.dma_semaphore, #tpu.memory_space<semaphore_mem>>)
      %add3A_67 = arith.constant 128 : i32
      %add3A_68 = arith.addi %add3A_44, %add3A_67 : i32
      %dma_wait3A_69 = tpu.memref_slice %arg3[%add3A_68] : memref<327680xi32, #tpu.memory_space<hbm>> -> memref<128xi32, #tpu.memory_space<hbm>>
      %dma_wait3A_70 = tpu.memref_slice %arg3[%add3A_68] : memref<327680xi32, #tpu.memory_space<hbm>> -> memref<128xi32, #tpu.memory_space<hbm>>
      tpu.wait_dma2 semaphore(%arg15 : memref<!tpu.dma_semaphore, #tpu.memory_space<semaphore_mem>>) src(%dma_wait3A_70 : memref<128xi32, #tpu.memory_space<hbm>>) dst(%arg9 : memref<128xi32, #tpu.memory_space<vmem>>)
      %dma_wait3A_71 = tpu.memref_slice %arg4[%add3A_68] : memref<327680xi32, #tpu.memory_space<hbm>> -> memref<128xi32, #tpu.memory_space<hbm>>
      %dma_wait3A_72 = tpu.memref_slice %arg4[%add3A_68] : memref<327680xi32, #tpu.memory_space<hbm>> -> memref<128xi32, #tpu.memory_space<hbm>>
      tpu.wait_dma2 semaphore(%arg15 : memref<!tpu.dma_semaphore, #tpu.memory_space<semaphore_mem>>) src(%dma_wait3A_72 : memref<128xi32, #tpu.memory_space<hbm>>) dst(%arg10 : memref<128xi32, #tpu.memory_space<vmem>>)
      %dma_start3A_73 = arith.constant 0 : i32
      %dma_start3A_74 = arith.constant 0 : i32
      %dma_start3A_75 = tpu.memref_slice %arg2[%dma_start3A_73, %dma_start3A_74] : memref<10000x128xf32, #tpu.memory_space<hbm>> -> memref<10000x128xf32, #tpu.memory_space<hbm>>
      tpu.enqueue_indirect_dma source(%dma_start3A_75 : memref<10000x128xf32, #tpu.memory_space<hbm>>) target(%arg11 : memref<128x128xf32, #tpu.memory_space<vmem>>) offsets(%arg9 : memref<128xi32, #tpu.memory_space<vmem>>) semaphore(%arg13 : memref<!tpu.dma_semaphore, #tpu.memory_space<semaphore_mem>>)
      %dma_wait3A_76 = arith.constant 0 : i32
      %dma_wait3A_77 = arith.constant 0 : i32
      %dma_wait3A_78 = tpu.memref_slice %arg2[%dma_wait3A_76, %dma_wait3A_77] : memref<10000x128xf32, #tpu.memory_space<hbm>> -> memref<10000x128xf32, #tpu.memory_space<hbm>>
      tpu.wait_indirect_dma semaphore(%arg13 : memref<!tpu.dma_semaphore, #tpu.memory_space<semaphore_mem>>) src(%dma_wait3A_78 : memref<10000x128xf32, #tpu.memory_space<hbm>>) dst(%arg11 : memref<128x128xf32, #tpu.memory_space<vmem>>)
      "tpu.region"() ({
        %run_scoped3A = tpu.sem_alloc : memref<!tpu.dma_semaphore, #tpu.memory_space<semaphore_mem>>
        %dma_start3A_92 = arith.constant 0 : i32
        %dma_start3A_93 = arith.constant 0 : i32
        %dma_start3A_94 = tpu.memref_slice %arg12[%dma_start3A_92, %dma_start3A_93] : memref<10240x128xf32, #tpu.memory_space<vmem_shared>> -> memref<10240x128xf32, #tpu.memory_space<vmem_shared>>
        tpu.enqueue_indirect_dma source(%arg11 : memref<128x128xf32, #tpu.memory_space<vmem>>) target(%dma_start3A_94 : memref<10240x128xf32, #tpu.memory_space<vmem_shared>>) offsets(%arg10 : memref<128xi32, #tpu.memory_space<vmem>>) semaphore(%run_scoped3A : memref<!tpu.dma_semaphore, #tpu.memory_space<semaphore_mem>>) {add = true}
        %dma_wait3A_95 = arith.constant 0 : i32
        %dma_wait3A_96 = arith.constant 0 : i32
        %dma_wait3A_97 = tpu.memref_slice %arg12[%dma_wait3A_95, %dma_wait3A_96] : memref<10240x128xf32, #tpu.memory_space<vmem_shared>> -> memref<10240x128xf32, #tpu.memory_space<vmem_shared>>
        tpu.wait_indirect_dma semaphore(%run_scoped3A : memref<!tpu.dma_semaphore, #tpu.memory_space<semaphore_mem>>) src(%arg11 : memref<128x128xf32, #tpu.memory_space<vmem>>) dst(%dma_wait3A_97 : memref<10240x128xf32, #tpu.memory_space<vmem_shared>>)
        tpu.yield
      }) : () -> ()
      %mul3A_79 = arith.constant 2 : i32
      %mul3A_80 = arith.muli %mul3A_79, %add3A_39 : i32
      %add3A_81 = arith.constant 3 : i32
      %add3A_82 = arith.addi %mul3A_80, %add3A_81 : i32
      %min3A_83 = arith.constant 79 : i32
      %min3A_84 = arith.minsi %add3A_82, %min3A_83 : i32
      %mul3A_85 = arith.constant 128 : i32
      %mul3A_86 = arith.muli %min3A_84, %mul3A_85 : i32
      %add3A_87 = arith.addi %mul3A_4, %mul3A_86 : i32
      %dma_start3A_88 = tpu.memref_slice %arg3[%add3A_87] : memref<327680xi32, #tpu.memory_space<hbm>> -> memref<128xi32, #tpu.memory_space<hbm>>
      %dma_start3A_89 = tpu.memref_slice %arg3[%add3A_87] : memref<327680xi32, #tpu.memory_space<hbm>> -> memref<128xi32, #tpu.memory_space<hbm>>
      tpu.enqueue_dma source(%dma_start3A_89 : memref<128xi32, #tpu.memory_space<hbm>>) target(%arg9 : memref<128xi32, #tpu.memory_space<vmem>>) target_semaphore(%arg15 : memref<!tpu.dma_semaphore, #tpu.memory_space<semaphore_mem>>)
      %dma_start3A_90 = tpu.memref_slice %arg4[%add3A_87] : memref<327680xi32, #tpu.memory_space<hbm>> -> memref<128xi32, #tpu.memory_space<hbm>>
      %dma_start3A_91 = tpu.memref_slice %arg4[%add3A_87] : memref<327680xi32, #tpu.memory_space<hbm>> -> memref<128xi32, #tpu.memory_space<hbm>>
      tpu.enqueue_dma source(%dma_start3A_91 : memref<128xi32, #tpu.memory_space<hbm>>) target(%arg10 : memref<128xi32, #tpu.memory_space<vmem>>) target_semaphore(%arg15 : memref<!tpu.dma_semaphore, #tpu.memory_space<semaphore_mem>>)
    }
    %scan3A_17 = arith.constant 40 : i32
    %add3A_18 = arith.constant 10112 : i32
    %add3A_19 = arith.addi %mul3A_4, %add3A_18 : i32
    %dma_wait3A = tpu.memref_slice %arg3[%add3A_19] : memref<327680xi32, #tpu.memory_space<hbm>> -> memref<128xi32, #tpu.memory_space<hbm>>
    %dma_wait3A_20 = tpu.memref_slice %arg3[%add3A_19] : memref<327680xi32, #tpu.memory_space<hbm>> -> memref<128xi32, #tpu.memory_space<hbm>>
    tpu.wait_dma2 semaphore(%arg14 : memref<!tpu.dma_semaphore, #tpu.memory_space<semaphore_mem>>) src(%dma_wait3A_20 : memref<128xi32, #tpu.memory_space<hbm>>) dst(%arg7 : memref<128xi32, #tpu.memory_space<vmem>>)
    %dma_wait3A_21 = tpu.memref_slice %arg4[%add3A_19] : memref<327680xi32, #tpu.memory_space<hbm>> -> memref<128xi32, #tpu.memory_space<hbm>>
    %dma_wait3A_22 = tpu.memref_slice %arg4[%add3A_19] : memref<327680xi32, #tpu.memory_space<hbm>> -> memref<128xi32, #tpu.memory_space<hbm>>
    tpu.wait_dma2 semaphore(%arg14 : memref<!tpu.dma_semaphore, #tpu.memory_space<semaphore_mem>>) src(%dma_wait3A_22 : memref<128xi32, #tpu.memory_space<hbm>>) dst(%arg8 : memref<128xi32, #tpu.memory_space<vmem>>)
    %dma_wait3A_23 = tpu.memref_slice %arg3[%add3A_19] : memref<327680xi32, #tpu.memory_space<hbm>> -> memref<128xi32, #tpu.memory_space<hbm>>
    %dma_wait3A_24 = tpu.memref_slice %arg3[%add3A_19] : memref<327680xi32, #tpu.memory_space<hbm>> -> memref<128xi32, #tpu.memory_space<hbm>>
    tpu.wait_dma2 semaphore(%arg15 : memref<!tpu.dma_semaphore, #tpu.memory_space<semaphore_mem>>) src(%dma_wait3A_24 : memref<128xi32, #tpu.memory_space<hbm>>) dst(%arg9 : memref<128xi32, #tpu.memory_space<vmem>>)
    %dma_wait3A_25 = tpu.memref_slice %arg4[%add3A_19] : memref<327680xi32, #tpu.memory_space<hbm>> -> memref<128xi32, #tpu.memory_space<hbm>>
    %dma_wait3A_26 = tpu.memref_slice %arg4[%add3A_19] : memref<327680xi32, #tpu.memory_space<hbm>> -> memref<128xi32, #tpu.memory_space<hbm>>
    tpu.wait_dma2 semaphore(%arg15 : memref<!tpu.dma_semaphore, #tpu.memory_space<semaphore_mem>>) src(%dma_wait3A_26 : memref<128xi32, #tpu.memory_space<hbm>>) dst(%arg10 : memref<128xi32, #tpu.memory_space<vmem>>)
    %barrier3A_27 = arith.constant 0 : index
    tpu.barrier barrier_id(%barrier3A_27)
    %mul3A_28 = arith.constant 640 : i32
    %mul3A_29 = arith.muli %arg1, %mul3A_28 : i32
    %mul3A_30 = arith.constant 10240 : i32
    %mul3A_31 = arith.muli %arg0, %mul3A_30 : i32
    %mul3A_32 = arith.constant 640 : i32
    %mul3A_33 = arith.muli %arg1, %mul3A_32 : i32
    %add3A_34 = arith.addi %mul3A_31, %mul3A_33 : i32
    "tpu.region"() ({
      %run_scoped3A = tpu.sem_alloc : memref<!tpu.dma_semaphore, #tpu.memory_space<semaphore_mem>>
      %dma_start3A_35 = arith.constant 0 : i32
      %dma_start3A_36 = tpu.memref_slice %arg6[%add3A_34, %dma_start3A_35] : memref<20480x128xf32, #tpu.memory_space<hbm>> -> memref<640x128xf32, #tpu.memory_space<hbm>>
      %dma_start3A_37 = arith.constant 0 : i32
      %dma_start3A_38 = tpu.memref_slice %arg12[%mul3A_29, %dma_start3A_37] : memref<10240x128xf32, #tpu.memory_space<vmem_shared>> -> memref<640x128xf32, #tpu.memory_space<vmem_shared>>
      tpu.enqueue_dma source(%dma_start3A_38 : memref<640x128xf32, #tpu.memory_space<vmem_shared>>) target(%dma_start3A_36 : memref<640x128xf32, #tpu.memory_space<hbm>>) target_semaphore(%run_scoped3A : memref<!tpu.dma_semaphore, #tpu.memory_space<semaphore_mem>>)
      %dma_wait3A_39 = arith.constant 0 : i32
      %dma_wait3A_40 = tpu.memref_slice %arg6[%add3A_34, %dma_wait3A_39] : memref<20480x128xf32, #tpu.memory_space<hbm>> -> memref<640x128xf32, #tpu.memory_space<hbm>>
      %dma_wait3A_41 = arith.constant 0 : i32
      %dma_wait3A_42 = tpu.memref_slice %arg12[%mul3A_29, %dma_wait3A_41] : memref<10240x128xf32, #tpu.memory_space<vmem_shared>> -> memref<640x128xf32, #tpu.memory_space<vmem_shared>>
      tpu.wait_dma2 semaphore(%run_scoped3A : memref<!tpu.dma_semaphore, #tpu.memory_space<semaphore_mem>>) src(%dma_wait3A_42 : memref<640x128xf32, #tpu.memory_space<vmem_shared>>) dst(%dma_wait3A_40 : memref<640x128xf32, #tpu.memory_space<hbm>>)
      tpu.yield
    }) : () -> ()
    return
  }
}

#map = affine_map<(d0, d1) -> (0)>
#map1 = affine_map<(d0, d1) -> (0, 0)>
module attributes {stable_mosaic.version = 14 : i64} {
  func.func @k(%arg0: i32, %arg1: i32, %arg2: memref<327680xi32, #tpu.memory_space<hbm>>, %arg3: memref<640x128xf32, #tpu.memory_space<hbm>>, %arg4: memref<128x128xf32, #tpu.memory_space<hbm>>, %arg5: memref<20480x128xf32, #tpu.memory_space<hbm>>, %arg6: memref<128xi32, #tpu.memory_space<vmem>>, %arg7: memref<128x128xf32, #tpu.memory_space<vmem>>, %arg8: memref<10240x128xf32, #tpu.memory_space<vmem_shared>>) attributes {dimension_semantics = [#tpu.dimension_semantics<core_parallel>, #tpu.dimension_semantics<subcore_parallel>], iteration_bounds = array<i64: 2, 16>, scalar_prefetch = 0 : i64, scratch_operands = 3 : i64, tpu.core_type = #tpu.core_type<sc_vector_subcore>, window_params = [{transform_indices = #map}, {transform_indices = #map1}, {transform_indices = #map1}, {transform_indices = #map1}]} {
    %mul3A = arith.constant 640 : i32
    %mul3A_0 = arith.muli %arg1, %mul3A : i32
    "tpu.region"() ({
      %run_scoped3A = tpu.sem_alloc : memref<!tpu.dma_semaphore, #tpu.memory_space<semaphore_mem>>
      %dma_start3A = arith.constant 0 : i32
      %dma_start3A_17 = tpu.memref_slice %arg8[%mul3A_0, %dma_start3A] : memref<10240x128xf32, #tpu.memory_space<vmem_shared>> -> memref<640x128xf32, #tpu.memory_space<vmem_shared>>
      tpu.enqueue_dma source(%arg3 : memref<640x128xf32, #tpu.memory_space<hbm>>) target(%dma_start3A_17 : memref<640x128xf32, #tpu.memory_space<vmem_shared>>) target_semaphore(%run_scoped3A : memref<!tpu.dma_semaphore, #tpu.memory_space<semaphore_mem>>)
      %dma_wait3A = arith.constant 0 : i32
      %dma_wait3A_18 = tpu.memref_slice %arg8[%mul3A_0, %dma_wait3A] : memref<10240x128xf32, #tpu.memory_space<vmem_shared>> -> memref<640x128xf32, #tpu.memory_space<vmem_shared>>
      tpu.wait_dma2 semaphore(%run_scoped3A : memref<!tpu.dma_semaphore, #tpu.memory_space<semaphore_mem>>) src(%arg3 : memref<640x128xf32, #tpu.memory_space<hbm>>) dst(%dma_wait3A_18 : memref<640x128xf32, #tpu.memory_space<vmem_shared>>)
      tpu.yield
    }) : () -> ()
    "tpu.region"() ({
      %run_scoped3A = tpu.sem_alloc : memref<!tpu.dma_semaphore, #tpu.memory_space<semaphore_mem>>
      tpu.enqueue_dma source(%arg4 : memref<128x128xf32, #tpu.memory_space<hbm>>) target(%arg7 : memref<128x128xf32, #tpu.memory_space<vmem>>) target_semaphore(%run_scoped3A : memref<!tpu.dma_semaphore, #tpu.memory_space<semaphore_mem>>)
      tpu.wait_dma2 semaphore(%run_scoped3A : memref<!tpu.dma_semaphore, #tpu.memory_space<semaphore_mem>>) src(%arg4 : memref<128x128xf32, #tpu.memory_space<hbm>>) dst(%arg7 : memref<128x128xf32, #tpu.memory_space<vmem>>)
      tpu.yield
    }) : () -> ()
    %barrier3A = arith.constant 0 : index
    tpu.barrier barrier_id(%barrier3A)
    %mul3A_1 = arith.constant 16 : i32
    %mul3A_2 = arith.muli %arg0, %mul3A_1 : i32
    %add3A = arith.addi %mul3A_2, %arg1 : i32
    %mul3A_3 = arith.constant 10240 : i32
    %mul3A_4 = arith.muli %add3A, %mul3A_3 : i32
    %scan3A = arith.constant 0 : i32
    %scan3A_5 = arith.constant 80 : i32
    %scan3A_6 = arith.addi %scan3A, %scan3A_5 : i32
    %scan3A_7 = arith.constant 1 : i32
    scf.for %scan3A_17 = %scan3A to %scan3A_6 step %scan3A_7  : i32 {
      %mul3A_18 = arith.constant 1 : i32
      %mul3A_19 = arith.muli %scan3A_17, %mul3A_18 : i32
      %add3A_20 = arith.constant 0 : i32
      %add3A_21 = arith.addi %add3A_20, %mul3A_19 : i32
      %mul3A_22 = arith.constant 128 : i32
      %mul3A_23 = arith.muli %add3A_21, %mul3A_22 : i32
      %add3A_24 = arith.addi %mul3A_4, %mul3A_23 : i32
      "tpu.region"() ({
        %run_scoped3A = tpu.sem_alloc : memref<!tpu.dma_semaphore, #tpu.memory_space<semaphore_mem>>
        %dma_start3A = tpu.memref_slice %arg2[%add3A_24] : memref<327680xi32, #tpu.memory_space<hbm>> -> memref<128xi32, #tpu.memory_space<hbm>>
        %dma_start3A_25 = tpu.memref_slice %arg2[%add3A_24] : memref<327680xi32, #tpu.memory_space<hbm>> -> memref<128xi32, #tpu.memory_space<hbm>>
        tpu.enqueue_dma source(%dma_start3A_25 : memref<128xi32, #tpu.memory_space<hbm>>) target(%arg6 : memref<128xi32, #tpu.memory_space<vmem>>) target_semaphore(%run_scoped3A : memref<!tpu.dma_semaphore, #tpu.memory_space<semaphore_mem>>)
        %dma_wait3A = tpu.memref_slice %arg2[%add3A_24] : memref<327680xi32, #tpu.memory_space<hbm>> -> memref<128xi32, #tpu.memory_space<hbm>>
        %dma_wait3A_26 = tpu.memref_slice %arg2[%add3A_24] : memref<327680xi32, #tpu.memory_space<hbm>> -> memref<128xi32, #tpu.memory_space<hbm>>
        tpu.wait_dma2 semaphore(%run_scoped3A : memref<!tpu.dma_semaphore, #tpu.memory_space<semaphore_mem>>) src(%dma_wait3A_26 : memref<128xi32, #tpu.memory_space<hbm>>) dst(%arg6 : memref<128xi32, #tpu.memory_space<vmem>>)
        tpu.yield
      }) : () -> ()
      "tpu.region"() ({
        %run_scoped3A = tpu.sem_alloc : memref<!tpu.dma_semaphore, #tpu.memory_space<semaphore_mem>>
        %dma_start3A = arith.constant 0 : i32
        %dma_start3A_25 = arith.constant 0 : i32
        %dma_start3A_26 = tpu.memref_slice %arg8[%dma_start3A, %dma_start3A_25] : memref<10240x128xf32, #tpu.memory_space<vmem_shared>> -> memref<10240x128xf32, #tpu.memory_space<vmem_shared>>
        tpu.enqueue_indirect_dma source(%arg7 : memref<128x128xf32, #tpu.memory_space<vmem>>) target(%dma_start3A_26 : memref<10240x128xf32, #tpu.memory_space<vmem_shared>>) offsets(%arg6 : memref<128xi32, #tpu.memory_space<vmem>>) semaphore(%run_scoped3A : memref<!tpu.dma_semaphore, #tpu.memory_space<semaphore_mem>>) {add = true}
        %dma_wait3A = arith.constant 0 : i32
        %dma_wait3A_27 = arith.constant 0 : i32
        %dma_wait3A_28 = tpu.memref_slice %arg8[%dma_wait3A, %dma_wait3A_27] : memref<10240x128xf32, #tpu.memory_space<vmem_shared>> -> memref<10240x128xf32, #tpu.memory_space<vmem_shared>>
        tpu.wait_indirect_dma semaphore(%run_scoped3A : memref<!tpu.dma_semaphore, #tpu.memory_space<semaphore_mem>>) src(%arg7 : memref<128x128xf32, #tpu.memory_space<vmem>>) dst(%dma_wait3A_28 : memref<10240x128xf32, #tpu.memory_space<vmem_shared>>)
        tpu.yield
      }) : () -> ()
    }
    %scan3A_8 = arith.constant 80 : i32
    %barrier3A_9 = arith.constant 0 : index
    tpu.barrier barrier_id(%barrier3A_9)
    %mul3A_10 = arith.constant 640 : i32
    %mul3A_11 = arith.muli %arg1, %mul3A_10 : i32
    %mul3A_12 = arith.constant 10240 : i32
    %mul3A_13 = arith.muli %arg0, %mul3A_12 : i32
    %mul3A_14 = arith.constant 640 : i32
    %mul3A_15 = arith.muli %arg1, %mul3A_14 : i32
    %add3A_16 = arith.addi %mul3A_13, %mul3A_15 : i32
    "tpu.region"() ({
      %run_scoped3A = tpu.sem_alloc : memref<!tpu.dma_semaphore, #tpu.memory_space<semaphore_mem>>
      %dma_start3A = arith.constant 0 : i32
      %dma_start3A_17 = tpu.memref_slice %arg5[%add3A_16, %dma_start3A] : memref<20480x128xf32, #tpu.memory_space<hbm>> -> memref<640x128xf32, #tpu.memory_space<hbm>>
      %dma_start3A_18 = arith.constant 0 : i32
      %dma_start3A_19 = tpu.memref_slice %arg8[%mul3A_11, %dma_start3A_18] : memref<10240x128xf32, #tpu.memory_space<vmem_shared>> -> memref<640x128xf32, #tpu.memory_space<vmem_shared>>
      tpu.enqueue_dma source(%dma_start3A_19 : memref<640x128xf32, #tpu.memory_space<vmem_shared>>) target(%dma_start3A_17 : memref<640x128xf32, #tpu.memory_space<hbm>>) target_semaphore(%run_scoped3A : memref<!tpu.dma_semaphore, #tpu.memory_space<semaphore_mem>>)
      %dma_wait3A = arith.constant 0 : i32
      %dma_wait3A_20 = tpu.memref_slice %arg5[%add3A_16, %dma_wait3A] : memref<20480x128xf32, #tpu.memory_space<hbm>> -> memref<640x128xf32, #tpu.memory_space<hbm>>
      %dma_wait3A_21 = arith.constant 0 : i32
      %dma_wait3A_22 = tpu.memref_slice %arg8[%mul3A_11, %dma_wait3A_21] : memref<10240x128xf32, #tpu.memory_space<vmem_shared>> -> memref<640x128xf32, #tpu.memory_space<vmem_shared>>
      tpu.wait_dma2 semaphore(%run_scoped3A : memref<!tpu.dma_semaphore, #tpu.memory_space<semaphore_mem>>) src(%dma_wait3A_22 : memref<640x128xf32, #tpu.memory_space<vmem_shared>>) dst(%dma_wait3A_20 : memref<640x128xf32, #tpu.memory_space<hbm>>)
      tpu.yield
    }) : () -> ()
    return
  }
}

#map = affine_map<(d0, d1) -> (0, 0)>
#map1 = affine_map<(d0, d1) -> (0)>
module attributes {stable_mosaic.version = 14 : i64} {
  func.func @k(%arg0: i32, %arg1: i32, %arg2: memref<10000x128xf32, #tpu.memory_space<hbm>>, %arg3: memref<327680xi32, #tpu.memory_space<hbm>>, %arg4: memref<327680xi32, #tpu.memory_space<hbm>>, %arg5: memref<640x128xf32, #tpu.memory_space<hbm>>, %arg6: memref<20480x128xf32, #tpu.memory_space<hbm>>, %arg7: memref<128xi32, #tpu.memory_space<vmem>>, %arg8: memref<128xi32, #tpu.memory_space<vmem>>, %arg9: memref<128xi32, #tpu.memory_space<vmem>>, %arg10: memref<128xi32, #tpu.memory_space<vmem>>, %arg11: memref<128x128xf32, #tpu.memory_space<vmem>>, %arg12: memref<10240x128xf32, #tpu.memory_space<vmem_shared>>, %arg13: memref<!tpu.dma_semaphore, #tpu.memory_space<semaphore_mem>>, %arg14: memref<!tpu.dma_semaphore, #tpu.memory_space<semaphore_mem>>, %arg15: memref<!tpu.dma_semaphore, #tpu.memory_space<semaphore_mem>>) attributes {dimension_semantics = [#tpu.dimension_semantics<core_parallel>, #tpu.dimension_semantics<subcore_parallel>], iteration_bounds = array<i64: 2, 16>, scalar_prefetch = 0 : i64, scratch_operands = 9 : i64, tpu.core_type = #tpu.core_type<sc_vector_subcore>, window_params = [{transform_indices = #map}, {transform_indices = #map1}, {transform_indices = #map1}, {transform_indices = #map}, {transform_indices = #map}]} {
    %mul3A = arith.constant 640 : i32
    %mul3A_0 = arith.muli %arg1, %mul3A : i32
    "tpu.region"() ({
      %run_scoped3A = tpu.sem_alloc : memref<!tpu.dma_semaphore, #tpu.memory_space<semaphore_mem>>
      %dma_start3A_35 = arith.constant 0 : i32
      %dma_start3A_36 = tpu.memref_slice %arg12[%mul3A_0, %dma_start3A_35] : memref<10240x128xf32, #tpu.memory_space<vmem_shared>> -> memref<640x128xf32, #tpu.memory_space<vmem_shared>>
      tpu.enqueue_dma source(%arg5 : memref<640x128xf32, #tpu.memory_space<hbm>>) target(%dma_start3A_36 : memref<640x128xf32, #tpu.memory_space<vmem_shared>>) target_semaphore(%run_scoped3A : memref<!tpu.dma_semaphore, #tpu.memory_space<semaphore_mem>>)
      %dma_wait3A_37 = arith.constant 0 : i32
      %dma_wait3A_38 = tpu.memref_slice %arg12[%mul3A_0, %dma_wait3A_37] : memref<10240x128xf32, #tpu.memory_space<vmem_shared>> -> memref<640x128xf32, #tpu.memory_space<vmem_shared>>
      tpu.wait_dma2 semaphore(%run_scoped3A : memref<!tpu.dma_semaphore, #tpu.memory_space<semaphore_mem>>) src(%arg5 : memref<640x128xf32, #tpu.memory_space<hbm>>) dst(%dma_wait3A_38 : memref<640x128xf32, #tpu.memory_space<vmem_shared>>)
      tpu.yield
    }) : () -> ()
    %barrier3A = arith.constant 0 : index
    tpu.barrier barrier_id(%barrier3A)
    %mul3A_1 = arith.constant 16 : i32
    %mul3A_2 = arith.muli %arg0, %mul3A_1 : i32
    %add3A = arith.addi %mul3A_2, %arg1 : i32
    %mul3A_3 = arith.constant 10240 : i32
    %mul3A_4 = arith.muli %add3A, %mul3A_3 : i32
    %dma_start3A = tpu.memref_slice %arg3[%mul3A_4] : memref<327680xi32, #tpu.memory_space<hbm>> -> memref<128xi32, #tpu.memory_space<hbm>>
    %dma_start3A_5 = tpu.memref_slice %arg3[%mul3A_4] : memref<327680xi32, #tpu.memory_space<hbm>> -> memref<128xi32, #tpu.memory_space<hbm>>
    tpu.enqueue_dma source(%dma_start3A_5 : memref<128xi32, #tpu.memory_space<hbm>>) target(%arg7 : memref<128xi32, #tpu.memory_space<vmem>>) target_semaphore(%arg14 : memref<!tpu.dma_semaphore, #tpu.memory_space<semaphore_mem>>)
    %dma_start3A_6 = tpu.memref_slice %arg4[%mul3A_4] : memref<327680xi32, #tpu.memory_space<hbm>> -> memref<128xi32, #tpu.memory_space<hbm>>
    %dma_start3A_7 = tpu.memref_slice %arg4[%mul3A_4] : memref<327680xi32, #tpu.memory_space<hbm>> -> memref<128xi32, #tpu.memory_space<hbm>>
    tpu.enqueue_dma source(%dma_start3A_7 : memref<128xi32, #tpu.memory_space<hbm>>) target(%arg8 : memref<128xi32, #tpu.memory_space<vmem>>) target_semaphore(%arg14 : memref<!tpu.dma_semaphore, #tpu.memory_space<semaphore_mem>>)
    %add3A_8 = arith.constant 128 : i32
    %add3A_9 = arith.addi %mul3A_4, %add3A_8 : i32
    %dma_start3A_10 = tpu.memref_slice %arg3[%add3A_9] : memref<327680xi32, #tpu.memory_space<hbm>> -> memref<128xi32, #tpu.memory_space<hbm>>
    %dma_start3A_11 = tpu.memref_slice %arg3[%add3A_9] : memref<327680xi32, #tpu.memory_space<hbm>> -> memref<128xi32, #tpu.memory_space<hbm>>
    tpu.enqueue_dma source(%dma_start3A_11 : memref<128xi32, #tpu.memory_space<hbm>>) target(%arg9 : memref<128xi32, #tpu.memory_space<vmem>>) target_semaphore(%arg15 : memref<!tpu.dma_semaphore, #tpu.memory_space<semaphore_mem>>)
    %dma_start3A_12 = tpu.memref_slice %arg4[%add3A_9] : memref<327680xi32, #tpu.memory_space<hbm>> -> memref<128xi32, #tpu.memory_space<hbm>>
    %dma_start3A_13 = tpu.memref_slice %arg4[%add3A_9] : memref<327680xi32, #tpu.memory_space<hbm>> -> memref<128xi32, #tpu.memory_space<hbm>>
    tpu.enqueue_dma source(%dma_start3A_13 : memref<128xi32, #tpu.memory_space<hbm>>) target(%arg10 : memref<128xi32, #tpu.memory_space<vmem>>) target_semaphore(%arg15 : memref<!tpu.dma_semaphore, #tpu.memory_space<semaphore_mem>>)
    %scan3A = arith.constant 0 : i32
    %scan3A_14 = arith.constant 40 : i32
    %scan3A_15 = arith.addi %scan3A, %scan3A_14 : i32
    %scan3A_16 = arith.constant 1 : i32
    scf.for %scan3A_35 = %scan3A to %scan3A_15 step %scan3A_16  : i32 {
      %mul3A_36 = arith.constant 1 : i32
      %mul3A_37 = arith.muli %scan3A_35, %mul3A_36 : i32
      %add3A_38 = arith.constant 0 : i32
      %add3A_39 = arith.addi %add3A_38, %mul3A_37 : i32
      %mul3A_40 = arith.constant 2 : i32
      %mul3A_41 = arith.muli %mul3A_40, %add3A_39 : i32
      %mul3A_42 = arith.constant 128 : i32
      %mul3A_43 = arith.muli %mul3A_41, %mul3A_42 : i32
      %add3A_44 = arith.addi %mul3A_4, %mul3A_43 : i32
      %dma_wait3A_45 = tpu.memref_slice %arg3[%add3A_44] : memref<327680xi32, #tpu.memory_space<hbm>> -> memref<128xi32, #tpu.memory_space<hbm>>
      %dma_wait3A_46 = tpu.memref_slice %arg3[%add3A_44] : memref<327680xi32, #tpu.memory_space<hbm>> -> memref<128xi32, #tpu.memory_space<hbm>>
      tpu.wait_dma2 semaphore(%arg14 : memref<!tpu.dma_semaphore, #tpu.memory_space<semaphore_mem>>) src(%dma_wait3A_46 : memref<128xi32, #tpu.memory_space<hbm>>) dst(%arg7 : memref<128xi32, #tpu.memory_space<vmem>>)
      %dma_wait3A_47 = tpu.memref_slice %arg4[%add3A_44] : memref<327680xi32, #tpu.memory_space<hbm>> -> memref<128xi32, #tpu.memory_space<hbm>>
      %dma_wait3A_48 = tpu.memref_slice %arg4[%add3A_44] : memref<327680xi32, #tpu.memory_space<hbm>> -> memref<128xi32, #tpu.memory_space<hbm>>
      tpu.wait_dma2 semaphore(%arg14 : memref<!tpu.dma_semaphore, #tpu.memory_space<semaphore_mem>>) src(%dma_wait3A_48 : memref<128xi32, #tpu.memory_space<hbm>>) dst(%arg8 : memref<128xi32, #tpu.memory_space<vmem>>)
      %dma_start3A_49 = arith.constant 0 : i32
      %dma_start3A_50 = arith.constant 0 : i32
      %dma_start3A_51 = tpu.memref_slice %arg2[%dma_start3A_49, %dma_start3A_50] : memref<10000x128xf32, #tpu.memory_space<hbm>> -> memref<10000x128xf32, #tpu.memory_space<hbm>>
      tpu.enqueue_indirect_dma source(%dma_start3A_51 : memref<10000x128xf32, #tpu.memory_space<hbm>>) target(%arg11 : memref<128x128xf32, #tpu.memory_space<vmem>>) offsets(%arg7 : memref<128xi32, #tpu.memory_space<vmem>>) semaphore(%arg13 : memref<!tpu.dma_semaphore, #tpu.memory_space<semaphore_mem>>)
      %dma_wait3A_52 = arith.constant 0 : i32
      %dma_wait3A_53 = arith.constant 0 : i32
      %dma_wait3A_54 = tpu.memref_slice %arg2[%dma_wait3A_52, %dma_wait3A_53] : memref<10000x128xf32, #tpu.memory_space<hbm>> -> memref<10000x128xf32, #tpu.memory_space<hbm>>
      tpu.wait_indirect_dma semaphore(%arg13 : memref<!tpu.dma_semaphore, #tpu.memory_space<semaphore_mem>>) src(%dma_wait3A_54 : memref<10000x128xf32, #tpu.memory_space<hbm>>) dst(%arg11 : memref<128x128xf32, #tpu.memory_space<vmem>>)
      "tpu.region"() ({
        %run_scoped3A = tpu.sem_alloc : memref<!tpu.dma_semaphore, #tpu.memory_space<semaphore_mem>>
        %dma_start3A_92 = arith.constant 0 : i32
        %dma_start3A_93 = arith.constant 0 : i32
        %dma_start3A_94 = tpu.memref_slice %arg12[%dma_start3A_92, %dma_start3A_93] : memref<10240x128xf32, #tpu.memory_space<vmem_shared>> -> memref<10240x128xf32, #tpu.memory_space<vmem_shared>>
        tpu.enqueue_indirect_dma source(%arg11 : memref<128x128xf32, #tpu.memory_space<vmem>>) target(%dma_start3A_94 : memref<10240x128xf32, #tpu.memory_space<vmem_shared>>) offsets(%arg8 : memref<128xi32, #tpu.memory_space<vmem>>) semaphore(%run_scoped3A : memref<!tpu.dma_semaphore, #tpu.memory_space<semaphore_mem>>) {add = true}
        %dma_wait3A_95 = arith.constant 0 : i32
        %dma_wait3A_96 = arith.constant 0 : i32
        %dma_wait3A_97 = tpu.memref_slice %arg12[%dma_wait3A_95, %dma_wait3A_96] : memref<10240x128xf32, #tpu.memory_space<vmem_shared>> -> memref<10240x128xf32, #tpu.memory_space<vmem_shared>>
        tpu.wait_indirect_dma semaphore(%run_scoped3A : memref<!tpu.dma_semaphore, #tpu.memory_space<semaphore_mem>>) src(%arg11 : memref<128x128xf32, #tpu.memory_space<vmem>>) dst(%dma_wait3A_97 : memref<10240x128xf32, #tpu.memory_space<vmem_shared>>)
        tpu.yield
      }) : () -> ()
      %mul3A_55 = arith.constant 2 : i32
      %mul3A_56 = arith.muli %mul3A_55, %add3A_39 : i32
      %add3A_57 = arith.constant 2 : i32
      %add3A_58 = arith.addi %mul3A_56, %add3A_57 : i32
      %min3A = arith.constant 79 : i32
      %min3A_59 = arith.minsi %add3A_58, %min3A : i32
      %mul3A_60 = arith.constant 128 : i32
      %mul3A_61 = arith.muli %min3A_59, %mul3A_60 : i32
      %add3A_62 = arith.addi %mul3A_4, %mul3A_61 : i32
      %dma_start3A_63 = tpu.memref_slice %arg3[%add3A_62] : memref<327680xi32, #tpu.memory_space<hbm>> -> memref<128xi32, #tpu.memory_space<hbm>>
      %dma_start3A_64 = tpu.memref_slice %arg3[%add3A_62] : memref<327680xi32, #tpu.memory_space<hbm>> -> memref<128xi32, #tpu.memory_space<hbm>>
      tpu.enqueue_dma source(%dma_start3A_64 : memref<128xi32, #tpu.memory_space<hbm>>) target(%arg7 : memref<128xi32, #tpu.memory_space<vmem>>) target_semaphore(%arg14 : memref<!tpu.dma_semaphore, #tpu.memory_space<semaphore_mem>>)
      %dma_start3A_65 = tpu.memref_slice %arg4[%add3A_62] : memref<327680xi32, #tpu.memory_space<hbm>> -> memref<128xi32, #tpu.memory_space<hbm>>
      %dma_start3A_66 = tpu.memref_slice %arg4[%add3A_62] : memref<327680xi32, #tpu.memory_space<hbm>> -> memref<128xi32, #tpu.memory_space<hbm>>
      tpu.enqueue_dma source(%dma_start3A_66 : memref<128xi32, #tpu.memory_space<hbm>>) target(%arg8 : memref<128xi32, #tpu.memory_space<vmem>>) target_semaphore(%arg14 : memref<!tpu.dma_semaphore, #tpu.memory_space<semaphore_mem>>)
      %add3A_67 = arith.constant 128 : i32
      %add3A_68 = arith.addi %add3A_44, %add3A_67 : i32
      %dma_wait3A_69 = tpu.memref_slice %arg3[%add3A_68] : memref<327680xi32, #tpu.memory_space<hbm>> -> memref<128xi32, #tpu.memory_space<hbm>>
      %dma_wait3A_70 = tpu.memref_slice %arg3[%add3A_68] : memref<327680xi32, #tpu.memory_space<hbm>> -> memref<128xi32, #tpu.memory_space<hbm>>
      tpu.wait_dma2 semaphore(%arg15 : memref<!tpu.dma_semaphore, #tpu.memory_space<semaphore_mem>>) src(%dma_wait3A_70 : memref<128xi32, #tpu.memory_space<hbm>>) dst(%arg9 : memref<128xi32, #tpu.memory_space<vmem>>)
      %dma_wait3A_71 = tpu.memref_slice %arg4[%add3A_68] : memref<327680xi32, #tpu.memory_space<hbm>> -> memref<128xi32, #tpu.memory_space<hbm>>
      %dma_wait3A_72 = tpu.memref_slice %arg4[%add3A_68] : memref<327680xi32, #tpu.memory_space<hbm>> -> memref<128xi32, #tpu.memory_space<hbm>>
      tpu.wait_dma2 semaphore(%arg15 : memref<!tpu.dma_semaphore, #tpu.memory_space<semaphore_mem>>) src(%dma_wait3A_72 : memref<128xi32, #tpu.memory_space<hbm>>) dst(%arg10 : memref<128xi32, #tpu.memory_space<vmem>>)
      %dma_start3A_73 = arith.constant 0 : i32
      %dma_start3A_74 = arith.constant 0 : i32
      %dma_start3A_75 = tpu.memref_slice %arg2[%dma_start3A_73, %dma_start3A_74] : memref<10000x128xf32, #tpu.memory_space<hbm>> -> memref<10000x128xf32, #tpu.memory_space<hbm>>
      tpu.enqueue_indirect_dma source(%dma_start3A_75 : memref<10000x128xf32, #tpu.memory_space<hbm>>) target(%arg11 : memref<128x128xf32, #tpu.memory_space<vmem>>) offsets(%arg9 : memref<128xi32, #tpu.memory_space<vmem>>) semaphore(%arg13 : memref<!tpu.dma_semaphore, #tpu.memory_space<semaphore_mem>>)
      %dma_wait3A_76 = arith.constant 0 : i32
      %dma_wait3A_77 = arith.constant 0 : i32
      %dma_wait3A_78 = tpu.memref_slice %arg2[%dma_wait3A_76, %dma_wait3A_77] : memref<10000x128xf32, #tpu.memory_space<hbm>> -> memref<10000x128xf32, #tpu.memory_space<hbm>>
      tpu.wait_indirect_dma semaphore(%arg13 : memref<!tpu.dma_semaphore, #tpu.memory_space<semaphore_mem>>) src(%dma_wait3A_78 : memref<10000x128xf32, #tpu.memory_space<hbm>>) dst(%arg11 : memref<128x128xf32, #tpu.memory_space<vmem>>)
      "tpu.region"() ({
        %run_scoped3A = tpu.sem_alloc : memref<!tpu.dma_semaphore, #tpu.memory_space<semaphore_mem>>
        %dma_start3A_92 = arith.constant 0 : i32
        %dma_start3A_93 = arith.constant 0 : i32
        %dma_start3A_94 = tpu.memref_slice %arg12[%dma_start3A_92, %dma_start3A_93] : memref<10240x128xf32, #tpu.memory_space<vmem_shared>> -> memref<10240x128xf32, #tpu.memory_space<vmem_shared>>
        tpu.enqueue_indirect_dma source(%arg11 : memref<128x128xf32, #tpu.memory_space<vmem>>) target(%dma_start3A_94 : memref<10240x128xf32, #tpu.memory_space<vmem_shared>>) offsets(%arg10 : memref<128xi32, #tpu.memory_space<vmem>>) semaphore(%run_scoped3A : memref<!tpu.dma_semaphore, #tpu.memory_space<semaphore_mem>>) {add = true}
        %dma_wait3A_95 = arith.constant 0 : i32
        %dma_wait3A_96 = arith.constant 0 : i32
        %dma_wait3A_97 = tpu.memref_slice %arg12[%dma_wait3A_95, %dma_wait3A_96] : memref<10240x128xf32, #tpu.memory_space<vmem_shared>> -> memref<10240x128xf32, #tpu.memory_space<vmem_shared>>
        tpu.wait_indirect_dma semaphore(%run_scoped3A : memref<!tpu.dma_semaphore, #tpu.memory_space<semaphore_mem>>) src(%arg11 : memref<128x128xf32, #tpu.memory_space<vmem>>) dst(%dma_wait3A_97 : memref<10240x128xf32, #tpu.memory_space<vmem_shared>>)
        tpu.yield
      }) : () -> ()
      %mul3A_79 = arith.constant 2 : i32
      %mul3A_80 = arith.muli %mul3A_79, %add3A_39 : i32
      %add3A_81 = arith.constant 3 : i32
      %add3A_82 = arith.addi %mul3A_80, %add3A_81 : i32
      %min3A_83 = arith.constant 79 : i32
      %min3A_84 = arith.minsi %add3A_82, %min3A_83 : i32
      %mul3A_85 = arith.constant 128 : i32
      %mul3A_86 = arith.muli %min3A_84, %mul3A_85 : i32
      %add3A_87 = arith.addi %mul3A_4, %mul3A_86 : i32
      %dma_start3A_88 = tpu.memref_slice %arg3[%add3A_87] : memref<327680xi32, #tpu.memory_space<hbm>> -> memref<128xi32, #tpu.memory_space<hbm>>
      %dma_start3A_89 = tpu.memref_slice %arg3[%add3A_87] : memref<327680xi32, #tpu.memory_space<hbm>> -> memref<128xi32, #tpu.memory_space<hbm>>
      tpu.enqueue_dma source(%dma_start3A_89 : memref<128xi32, #tpu.memory_space<hbm>>) target(%arg9 : memref<128xi32, #tpu.memory_space<vmem>>) target_semaphore(%arg15 : memref<!tpu.dma_semaphore, #tpu.memory_space<semaphore_mem>>)
      %dma_start3A_90 = tpu.memref_slice %arg4[%add3A_87] : memref<327680xi32, #tpu.memory_space<hbm>> -> memref<128xi32, #tpu.memory_space<hbm>>
      %dma_start3A_91 = tpu.memref_slice %arg4[%add3A_87] : memref<327680xi32, #tpu.memory_space<hbm>> -> memref<128xi32, #tpu.memory_space<hbm>>
      tpu.enqueue_dma source(%dma_start3A_91 : memref<128xi32, #tpu.memory_space<hbm>>) target(%arg10 : memref<128xi32, #tpu.memory_space<vmem>>) target_semaphore(%arg15 : memref<!tpu.dma_semaphore, #tpu.memory_space<semaphore_mem>>)
    }
    %scan3A_17 = arith.constant 40 : i32
    %add3A_18 = arith.constant 10112 : i32
    %add3A_19 = arith.addi %mul3A_4, %add3A_18 : i32
    %dma_wait3A = tpu.memref_slice %arg3[%add3A_19] : memref<327680xi32, #tpu.memory_space<hbm>> -> memref<128xi32, #tpu.memory_space<hbm>>
    %dma_wait3A_20 = tpu.memref_slice %arg3[%add3A_19] : memref<327680xi32, #tpu.memory_space<hbm>> -> memref<128xi32, #tpu.memory_space<hbm>>
    tpu.wait_dma2 semaphore(%arg14 : memref<!tpu.dma_semaphore, #tpu.memory_space<semaphore_mem>>) src(%dma_wait3A_20 : memref<128xi32, #tpu.memory_space<hbm>>) dst(%arg7 : memref<128xi32, #tpu.memory_space<vmem>>)
    %dma_wait3A_21 = tpu.memref_slice %arg4[%add3A_19] : memref<327680xi32, #tpu.memory_space<hbm>> -> memref<128xi32, #tpu.memory_space<hbm>>
    %dma_wait3A_22 = tpu.memref_slice %arg4[%add3A_19] : memref<327680xi32, #tpu.memory_space<hbm>> -> memref<128xi32, #tpu.memory_space<hbm>>
    tpu.wait_dma2 semaphore(%arg14 : memref<!tpu.dma_semaphore, #tpu.memory_space<semaphore_mem>>) src(%dma_wait3A_22 : memref<128xi32, #tpu.memory_space<hbm>>) dst(%arg8 : memref<128xi32, #tpu.memory_space<vmem>>)
    %dma_wait3A_23 = tpu.memref_slice %arg3[%add3A_19] : memref<327680xi32, #tpu.memory_space<hbm>> -> memref<128xi32, #tpu.memory_space<hbm>>
    %dma_wait3A_24 = tpu.memref_slice %arg3[%add3A_19] : memref<327680xi32, #tpu.memory_space<hbm>> -> memref<128xi32, #tpu.memory_space<hbm>>
    tpu.wait_dma2 semaphore(%arg15 : memref<!tpu.dma_semaphore, #tpu.memory_space<semaphore_mem>>) src(%dma_wait3A_24 : memref<128xi32, #tpu.memory_space<hbm>>) dst(%arg9 : memref<128xi32, #tpu.memory_space<vmem>>)
    %dma_wait3A_25 = tpu.memref_slice %arg4[%add3A_19] : memref<327680xi32, #tpu.memory_space<hbm>> -> memref<128xi32, #tpu.memory_space<hbm>>
    %dma_wait3A_26 = tpu.memref_slice %arg4[%add3A_19] : memref<327680xi32, #tpu.memory_space<hbm>> -> memref<128xi32, #tpu.memory_space<hbm>>
    tpu.wait_dma2 semaphore(%arg15 : memref<!tpu.dma_semaphore, #tpu.memory_space<semaphore_mem>>) src(%dma_wait3A_26 : memref<128xi32, #tpu.memory_space<hbm>>) dst(%arg10 : memref<128xi32, #tpu.memory_space<vmem>>)
    %barrier3A_27 = arith.constant 0 : index
    tpu.barrier barrier_id(%barrier3A_27)
    %mul3A_28 = arith.constant 640 : i32
    %mul3A_29 = arith.muli %arg1, %mul3A_28 : i32
    %mul3A_30 = arith.constant 10240 : i32
    %mul3A_31 = arith.muli %arg0, %mul3A_30 : i32
    %mul3A_32 = arith.constant 640 : i32
    %mul3A_33 = arith.muli %arg1, %mul3A_32 : i32
    %add3A_34 = arith.addi %mul3A_31, %mul3A_33 : i32
    "tpu.region"() ({
      %run_scoped3A = tpu.sem_alloc : memref<!tpu.dma_semaphore, #tpu.memory_space<semaphore_mem>>
      %dma_start3A_35 = arith.constant 0 : i32
      %dma_start3A_36 = tpu.memref_slice %arg6[%add3A_34, %dma_start3A_35] : memref<20480x128xf32, #tpu.memory_space<hbm>> -> memref<640x128xf32, #tpu.memory_space<hbm>>
      %dma_start3A_37 = arith.constant 0 : i32
      %dma_start3A_38 = tpu.memref_slice %arg12[%mul3A_29, %dma_start3A_37] : memref<10240x128xf32, #tpu.memory_space<vmem_shared>> -> memref<640x128xf32, #tpu.memory_space<vmem_shared>>
      tpu.enqueue_dma source(%dma_start3A_38 : memref<640x128xf32, #tpu.memory_space<vmem_shared>>) target(%dma_start3A_36 : memref<640x128xf32, #tpu.memory_space<hbm>>) target_semaphore(%run_scoped3A : memref<!tpu.dma_semaphore, #tpu.memory_space<semaphore_mem>>)
      %dma_wait3A_39 = arith.constant 0 : i32
      %dma_wait3A_40 = tpu.memref_slice %arg6[%add3A_34, %dma_wait3A_39] : memref<20480x128xf32, #tpu.memory_space<hbm>> -> memref<640x128xf32, #tpu.memory_space<hbm>>
      %dma_wait3A_41 = arith.constant 0 : i32
      %dma_wait3A_42 = tpu.memref_slice %arg12[%mul3A_29, %dma_wait3A_41] : memref<10240x128xf32, #tpu.memory_space<vmem_shared>> -> memref<640x128xf32, #tpu.memory_space<vmem_shared>>
      tpu.wait_dma2 semaphore(%run_scoped3A : memref<!tpu.dma_semaphore, #tpu.memory_space<semaphore_mem>>) src(%dma_wait3A_42 : memref<640x128xf32, #tpu.memory_space<vmem_shared>>) dst(%dma_wait3A_40 : memref<640x128xf32, #tpu.memory_space<hbm>>)
      tpu.yield
    }) : () -> ()
    return
  }
}

module attributes {stable_mosaic.version = 14 : i64} {
  func.func @body(%arg0: i32, %arg1: memref<2x1000x128xf32, #tpu.memory_space<vmem>>, %arg2: memref<2x1000x128xf32, #tpu.memory_space<vmem>>, %arg3: memref<1000x128xf32, #tpu.memory_space<vmem>>, %arg4: memref<128x128xf32, #tpu.memory_space<vmem>>, %arg5: memref<1x128xf32, #tpu.memory_space<vmem>>, %arg6: memref<128x128xf32, #tpu.memory_space<vmem>>, %arg7: memref<1000x128xf32, #tpu.memory_space<vmem>>, %arg8: memref<1000x128xf32, #tpu.memory_space<vmem>>) attributes {dimension_semantics = [#tpu.dimension_semantics<arbitrary>], iteration_bounds = array<i64: 10>, scalar_prefetch = 0 : i64, scratch_operands = 0 : i64, tpu.core_type = #tpu.core_type<tc>, window_params = [{transform_indices = @transform_0, window_bounds = array<i64: 2, 1000, 128>}, {transform_indices = @transform_1, window_bounds = array<i64: 2, 1000, 128>}, {transform_indices = @transform_2, window_bounds = array<i64: 1000, 128>}, {pipeline_mode = #tpu.pipeline_mode<synchronous>, transform_indices = @transform_3, window_bounds = array<i64: 128, 128>}, {pipeline_mode = #tpu.pipeline_mode<synchronous>, transform_indices = @transform_4, window_bounds = array<i64: 1, 128>}, {pipeline_mode = #tpu.pipeline_mode<synchronous>, transform_indices = @transform_5, window_bounds = array<i64: 128, 128>}, {transform_indices = @transform_6, window_bounds = array<i64: 1000, 128>}, {transform_indices = @transform_7, window_bounds = array<i64: 1000, 128>}]} {
    %get3A = arith.constant 0 : index
    %get3A_0 = arith.constant 0 : index
    %get3A_1 = arith.constant 0 : index
    %get3A_2 = vector.load %arg1[%get3A, %get3A_0, %get3A_1] : memref<2x1000x128xf32, #tpu.memory_space<vmem>>, vector<1x1000x128xf32>
    %get3A_3 = vector.shape_cast %get3A_2 : vector<1x1000x128xf32> to vector<1000x128xf32>
    %get3A_4 = arith.constant 1 : index
    %get3A_5 = arith.constant 0 : index
    %get3A_6 = arith.constant 0 : index
    %get3A_7 = vector.load %arg1[%get3A_4, %get3A_5, %get3A_6] : memref<2x1000x128xf32, #tpu.memory_space<vmem>>, vector<1x1000x128xf32>
    %get3A_8 = vector.shape_cast %get3A_7 : vector<1x1000x128xf32> to vector<1000x128xf32>
    %add3A = arith.addf %get3A_3, %get3A_8 : vector<1000x128xf32>
    %get3A_9 = arith.constant 0 : index
    %get3A_10 = arith.constant 0 : index
    %get3A_11 = arith.constant 0 : index
    %get3A_12 = vector.load %arg2[%get3A_9, %get3A_10, %get3A_11] : memref<2x1000x128xf32, #tpu.memory_space<vmem>>, vector<1x1000x128xf32>
    %get3A_13 = vector.shape_cast %get3A_12 : vector<1x1000x128xf32> to vector<1000x128xf32>
    %get3A_14 = arith.constant 1 : index
    %get3A_15 = arith.constant 0 : index
    %get3A_16 = arith.constant 0 : index
    %get3A_17 = vector.load %arg2[%get3A_14, %get3A_15, %get3A_16] : memref<2x1000x128xf32, #tpu.memory_space<vmem>>, vector<1x1000x128xf32>
    %get3A_18 = vector.shape_cast %get3A_17 : vector<1x1000x128xf32> to vector<1000x128xf32>
    %add3A_19 = arith.addf %get3A_13, %get3A_18 : vector<1000x128xf32>
    %max3A = arith.constant 1.000000e+00 : f32
    %max3A_20 = vector.broadcast %max3A : f32 to vector<1000x128xf32>
    %max3A_21 = arith.maximumf %add3A_19, %max3A_20 : vector<1000x128xf32>
    %div3A = arith.constant 1.000000e+00 : f32
    %div3A_22 = vector.broadcast %div3A : f32 to vector<1000x128xf32>
    %div3A_23 = arith.divf %div3A_22, %max3A_21 : vector<1000x128xf32>
    %mul3A = arith.mulf %add3A, %div3A_23 : vector<1000x128xf32>
    %get3A_24 = arith.constant 0 : index
    %get3A_25 = arith.constant 0 : index
    %get3A_26 = vector.load %arg4[%get3A_24, %get3A_25] : memref<128x128xf32, #tpu.memory_space<vmem>>, vector<128x128xf32>
    %dot_general3A = arith.constant dense<0.000000e+00> : vector<1000x128xf32>
    %dot_general3A_27 = tpu.matmul %mul3A, %get3A_26, %dot_general3A {dimension_numbers = #tpu.dot_dimension_numbers<[1], [0], [0], [1], [0, 0, 1, 1], [], []>, transpose_lhs_hint = false} : vector<1000x128xf32>, vector<128x128xf32>, vector<1000x128xf32> -> vector<1000x128xf32>
    %get3A_28 = arith.constant 0 : index
    %get3A_29 = arith.constant 0 : index
    %get3A_30 = vector.load %arg5[%get3A_28, %get3A_29] : memref<1x128xf32, #tpu.memory_space<vmem>>, vector<1x128xf32>
    %add3A_31 = vector.broadcast %get3A_30 : vector<1x128xf32> to vector<1000x128xf32>
    %add3A_32 = arith.addf %dot_general3A_27, %add3A_31 : vector<1000x128xf32>
    %get3A_33 = arith.constant 0 : index
    %get3A_34 = arith.constant 0 : index
    %get3A_35 = vector.load %arg3[%get3A_33, %get3A_34] : memref<1000x128xf32, #tpu.memory_space<vmem>>, vector<1000x128xf32>
    %get3A_36 = arith.constant 0 : index
    %get3A_37 = arith.constant 0 : index
    %get3A_38 = vector.load %arg6[%get3A_36, %get3A_37] : memref<128x128xf32, #tpu.memory_space<vmem>>, vector<128x128xf32>
    %dot_general3A_39 = arith.constant dense<0.000000e+00> : vector<1000x128xf32>
    %dot_general3A_40 = tpu.matmul %get3A_35, %get3A_38, %dot_general3A_39 {dimension_numbers = #tpu.dot_dimension_numbers<[1], [0], [0], [1], [0, 0, 1, 1], [], []>, transpose_lhs_hint = false} : vector<1000x128xf32>, vector<128x128xf32>, vector<1000x128xf32> -> vector<1000x128xf32>
    %add3A_41 = arith.addf %add3A_32, %dot_general3A_40 : vector<1000x128xf32>
    %max3A_42 = arith.constant 0.000000e+00 : f32
    %max3A_43 = vector.broadcast %max3A_42 : f32 to vector<1000x128xf32>
    %max3A_44 = arith.maximumf %add3A_41, %max3A_43 : vector<1000x128xf32>
    %swap3A = arith.constant 0 : index
    %swap3A_45 = arith.constant 0 : index
    %swap3A_46 = vector.load %arg7[%swap3A, %swap3A_45] : memref<1000x128xf32, #tpu.memory_space<vmem>>, vector<1000x128xf32>
    tpu.vector_store %arg7[%swap3A, %swap3A_45], %max3A_44 {strides = array<i32>} : memref<1000x128xf32, #tpu.memory_space<vmem>>, vector<1000x128xf32>,
    %swap3A_47 = arith.constant 0 : index
    %swap3A_48 = arith.constant 0 : index
    %swap3A_49 = vector.load %arg8[%swap3A_47, %swap3A_48] : memref<1000x128xf32, #tpu.memory_space<vmem>>, vector<1000x128xf32>
    tpu.vector_store %arg8[%swap3A_47, %swap3A_48], %div3A_23 {strides = array<i32>} : memref<1000x128xf32, #tpu.memory_space<vmem>>, vector<1000x128xf32>,
    return
  }
  func.func @transform_0(%arg0: i32) -> (i32, i32, i32) {
    %c0_i32 = arith.constant 0 : i32
    %c0_i32_0 = arith.constant 0 : i32
    %c0_i32_1 = arith.constant 0 : i32
    return %c0_i32, %arg0, %c0_i32_0 : i32, i32, i32
  }
  func.func @transform_1(%arg0: i32) -> (i32, i32, i32) {
    %c0_i32 = arith.constant 0 : i32
    %c0_i32_0 = arith.constant 0 : i32
    %c0_i32_1 = arith.constant 0 : i32
    return %c0_i32, %arg0, %c0_i32_0 : i32, i32, i32
  }
  func.func @transform_2(%arg0: i32) -> (i32, i32) {
    %c0_i32 = arith.constant 0 : i32
    %c0_i32_0 = arith.constant 0 : i32
    return %arg0, %c0_i32 : i32, i32
  }
  func.func @transform_3(%arg0: i32) -> (i32, i32) {
    %c0_i32 = arith.constant 0 : i32
    %c0_i32_0 = arith.constant 0 : i32
    %c0_i32_1 = arith.constant 0 : i32
    return %c0_i32, %c0_i32_0 : i32, i32
  }
  func.func @transform_4(%arg0: i32) -> (i32, i32) {
    %c0_i32 = arith.constant 0 : i32
    %c0_i32_0 = arith.constant 0 : i32
    %c0_i32_1 = arith.constant 0 : i32
    return %c0_i32, %c0_i32_0 : i32, i32
  }
  func.func @transform_5(%arg0: i32) -> (i32, i32) {
    %c0_i32 = arith.constant 0 : i32
    %c0_i32_0 = arith.constant 0 : i32
    %c0_i32_1 = arith.constant 0 : i32
    return %c0_i32, %c0_i32_0 : i32, i32
  }
  func.func @transform_6(%arg0: i32) -> (i32, i32) {
    %c0_i32 = arith.constant 0 : i32
    %c0_i32_0 = arith.constant 0 : i32
    return %arg0, %c0_i32 : i32, i32
  }
  func.func @transform_7(%arg0: i32) -> (i32, i32) {
    %c0_i32 = arith.constant 0 : i32
    %c0_i32_0 = arith.constant 0 : i32
    return %arg0, %c0_i32 : i32, i32
  }
}

module attributes {stable_mosaic.version = 14 : i64} {
  func.func @body(%arg0: i32, %arg1: memref<2x1000x128xf32, #tpu.memory_space<vmem>>, %arg2: memref<1000x128xf32, #tpu.memory_space<vmem>>, %arg3: memref<1000x128xf32, #tpu.memory_space<vmem>>, %arg4: memref<128x128xf32, #tpu.memory_space<vmem>>, %arg5: memref<1x128xf32, #tpu.memory_space<vmem>>, %arg6: memref<128x128xf32, #tpu.memory_space<vmem>>, %arg7: memref<1000x128xf32, #tpu.memory_space<vmem>>) attributes {dimension_semantics = [#tpu.dimension_semantics<arbitrary>], iteration_bounds = array<i64: 10>, scalar_prefetch = 0 : i64, scratch_operands = 0 : i64, tpu.core_type = #tpu.core_type<tc>, window_params = [{transform_indices = @transform_0, window_bounds = array<i64: 2, 1000, 128>}, {transform_indices = @transform_1, window_bounds = array<i64: 1000, 128>}, {transform_indices = @transform_2, window_bounds = array<i64: 1000, 128>}, {pipeline_mode = #tpu.pipeline_mode<synchronous>, transform_indices = @transform_3, window_bounds = array<i64: 128, 128>}, {pipeline_mode = #tpu.pipeline_mode<synchronous>, transform_indices = @transform_4, window_bounds = array<i64: 1, 128>}, {pipeline_mode = #tpu.pipeline_mode<synchronous>, transform_indices = @transform_5, window_bounds = array<i64: 128, 128>}, {transform_indices = @transform_6, window_bounds = array<i64: 1000, 128>}]} {
    %get3A = arith.constant 0 : index
    %get3A_0 = arith.constant 0 : index
    %get3A_1 = arith.constant 0 : index
    %get3A_2 = vector.load %arg1[%get3A, %get3A_0, %get3A_1] : memref<2x1000x128xf32, #tpu.memory_space<vmem>>, vector<1x1000x128xf32>
    %get3A_3 = vector.shape_cast %get3A_2 : vector<1x1000x128xf32> to vector<1000x128xf32>
    %get3A_4 = arith.constant 1 : index
    %get3A_5 = arith.constant 0 : index
    %get3A_6 = arith.constant 0 : index
    %get3A_7 = vector.load %arg1[%get3A_4, %get3A_5, %get3A_6] : memref<2x1000x128xf32, #tpu.memory_space<vmem>>, vector<1x1000x128xf32>
    %get3A_8 = vector.shape_cast %get3A_7 : vector<1x1000x128xf32> to vector<1000x128xf32>
    %add3A = arith.addf %get3A_3, %get3A_8 : vector<1000x128xf32>
    %get3A_9 = arith.constant 0 : index
    %get3A_10 = arith.constant 0 : index
    %get3A_11 = vector.load %arg2[%get3A_9, %get3A_10] : memref<1000x128xf32, #tpu.memory_space<vmem>>, vector<1000x128xf32>
    %mul3A = arith.mulf %add3A, %get3A_11 : vector<1000x128xf32>
    %get3A_12 = arith.constant 0 : index
    %get3A_13 = arith.constant 0 : index
    %get3A_14 = vector.load %arg4[%get3A_12, %get3A_13] : memref<128x128xf32, #tpu.memory_space<vmem>>, vector<128x128xf32>
    %dot_general3A = arith.constant dense<0.000000e+00> : vector<1000x128xf32>
    %dot_general3A_15 = tpu.matmul %mul3A, %get3A_14, %dot_general3A {dimension_numbers = #tpu.dot_dimension_numbers<[1], [0], [0], [1], [0, 0, 1, 1], [], []>, transpose_lhs_hint = false} : vector<1000x128xf32>, vector<128x128xf32>, vector<1000x128xf32> -> vector<1000x128xf32>
    %get3A_16 = arith.constant 0 : index
    %get3A_17 = arith.constant 0 : index
    %get3A_18 = vector.load %arg5[%get3A_16, %get3A_17] : memref<1x128xf32, #tpu.memory_space<vmem>>, vector<1x128xf32>
    %add3A_19 = vector.broadcast %get3A_18 : vector<1x128xf32> to vector<1000x128xf32>
    %add3A_20 = arith.addf %dot_general3A_15, %add3A_19 : vector<1000x128xf32>
    %get3A_21 = arith.constant 0 : index
    %get3A_22 = arith.constant 0 : index
    %get3A_23 = vector.load %arg3[%get3A_21, %get3A_22] : memref<1000x128xf32, #tpu.memory_space<vmem>>, vector<1000x128xf32>
    %get3A_24 = arith.constant 0 : index
    %get3A_25 = arith.constant 0 : index
    %get3A_26 = vector.load %arg6[%get3A_24, %get3A_25] : memref<128x128xf32, #tpu.memory_space<vmem>>, vector<128x128xf32>
    %dot_general3A_27 = arith.constant dense<0.000000e+00> : vector<1000x128xf32>
    %dot_general3A_28 = tpu.matmul %get3A_23, %get3A_26, %dot_general3A_27 {dimension_numbers = #tpu.dot_dimension_numbers<[1], [0], [0], [1], [0, 0, 1, 1], [], []>, transpose_lhs_hint = false} : vector<1000x128xf32>, vector<128x128xf32>, vector<1000x128xf32> -> vector<1000x128xf32>
    %add3A_29 = arith.addf %add3A_20, %dot_general3A_28 : vector<1000x128xf32>
    %swap3A = arith.constant 0 : index
    %swap3A_30 = arith.constant 0 : index
    %swap3A_31 = vector.load %arg7[%swap3A, %swap3A_30] : memref<1000x128xf32, #tpu.memory_space<vmem>>, vector<1000x128xf32>
    tpu.vector_store %arg7[%swap3A, %swap3A_30], %add3A_29 {strides = array<i32>} : memref<1000x128xf32, #tpu.memory_space<vmem>>, vector<1000x128xf32>,
    return
  }
  func.func @transform_0(%arg0: i32) -> (i32, i32, i32) {
    %c0_i32 = arith.constant 0 : i32
    %c0_i32_0 = arith.constant 0 : i32
    %c0_i32_1 = arith.constant 0 : i32
    return %c0_i32, %arg0, %c0_i32_0 : i32, i32, i32
  }
  func.func @transform_1(%arg0: i32) -> (i32, i32) {
    %c0_i32 = arith.constant 0 : i32
    %c0_i32_0 = arith.constant 0 : i32
    return %arg0, %c0_i32 : i32, i32
  }
  func.func @transform_2(%arg0: i32) -> (i32, i32) {
    %c0_i32 = arith.constant 0 : i32
    %c0_i32_0 = arith.constant 0 : i32
    return %arg0, %c0_i32 : i32, i32
  }
  func.func @transform_3(%arg0: i32) -> (i32, i32) {
    %c0_i32 = arith.constant 0 : i32
    %c0_i32_0 = arith.constant 0 : i32
    %c0_i32_1 = arith.constant 0 : i32
    return %c0_i32, %c0_i32_0 : i32, i32
  }
  func.func @transform_4(%arg0: i32) -> (i32, i32) {
    %c0_i32 = arith.constant 0 : i32
    %c0_i32_0 = arith.constant 0 : i32
    %c0_i32_1 = arith.constant 0 : i32
    return %c0_i32, %c0_i32_0 : i32, i32
  }
  func.func @transform_5(%arg0: i32) -> (i32, i32) {
    %c0_i32 = arith.constant 0 : i32
    %c0_i32_0 = arith.constant 0 : i32
    %c0_i32_1 = arith.constant 0 : i32
    return %c0_i32, %c0_i32_0 : i32, i32
  }
  func.func @transform_6(%arg0: i32) -> (i32, i32) {
    %c0_i32 = arith.constant 0 : i32
    %c0_i32_0 = arith.constant 0 : i32
    return %arg0, %c0_i32 : i32, i32
  }
}

</mosaic_0001>

<sc_bundles>
// kernel: kernel.10.cloned.1.call-start
scs
__scs_entry_jumppad:
0x0: {  	(pc) =	sbr.rel $0x88, $3  }
0x1: {  	(tag) =	ssettag $0x0;
	lr =	simm.s32 $0x1  }
0x2: {  	[smem:$0x3F99] =	sst lr;
	_ =	strace $0xD0000000  }
0x3: {  	_ = 	snop  }
0x4: {  	_ = 	snop  }
0x5: {  	_ = 	snop  }
0x6: {  	_ = 	snop  }
0x7: {  	_ = 	snop  }
__scs_overlays_trampoline_lowered:
0x8: {  	[smem:$0x3FA8] =	sst s0  }
0x9: {  	[smem:$0x3FA9] =	sst s1  }
0xa: {  	[smem:$0x3FAA] =	sst s2  }
0xb: {  	[smem:$0x3FAB] =	sst s3  }
0xc: {  	[smem:$0x3FAC] =	sst s4  }
0xd: {  	[smem:$0x3FAD] =	sst s5  }
0xe: {  	[smem:$0x3FAE] =	sst s6  }
0xf: {  	[smem:$0x3FAF] =	sst s7  }
0x10: {  	[smem:$0x3FB0] =	sst s8  }
0x11: {  	[smem:$0x3FB1] =	sst s9;
	s0 =	simm.s32 @!p0 $0x0  }
0x12: {  	s1 =	sld [smem:$0x3F97];
	s0 =	simm.s32 @p0 $0x1  }
0x13: {  	[smem:$0x3FB2] =	sst s0;
	s0 =	simm.s32 @!p1 $0x0  }
0x14: {  	s2 =	sld [smem:$0x3F96];
	s0 =	simm.s32 @p1 $0x1  }
0x15: {  	[smem:$0x3FB3] =	sst s0;
	s0 =	simm.s32 @!p2 $0x0  }
0x16: {  	s3 =	sld [smem:$0x3FDB];
	s0 =	simm.s32 @p2 $0x1  }
0x17: {  	s4 =	simm.s32 $0x1BF5;
	[smem:$0x3FB5] =	sst s0  }
0x18: {  	s0 =	sld [smem:$0x3F98];
	_ =	swait.ge [sflag:s4], $0x0  }
0x19: {  	s7 =	sld [smem:$0x3F99]  }
0x1a: {  	s8 =	sadd.s32 $0xFFFFE003, lr  }
0x1b: {  	s9 =	sadd.s32 $0xFFFFFEF7, lr;
	s5 =	simm.s32 $0xFFFFFFFF;
	p2 =	slt.u32 s8, $0xFFFFF086  }
0x1c: {  	p1 =	slt.u32 s9, $0xF7A;
	s5 =	simm.s32 @!p2 $0x0  }
0x1d: {  	s5 =	simm.s32 @p1 $0x1;
	p0 =	seq.s32 s7, s2  }
0x1e: {  	s7 =	smul.u32 @!p0 $0xF7A, s2;
	p2 =	seq.s32 @!p0 s5, $0x0  }
0x1f: {  	s9 =	smul.u32 $0xF7A, s1;
	s8 =	simm.s32 @!p0 $0x1BF5;
	p2 =	por !p2, p0  }
0x20: {  	[sflag:s8] =	ssyncset.s32 @!p0 $0xFFFFF086;
	s6 =	sadd.s32 @!p0 s3, s7;
	s7 =	simm.s32 @!p0 $0x108  }
0x21: {  	s3 =	sadd.s32 s3, s9;
	s6 =	sadd.s32 @!p0 $0x88, s6;
	s7 =	simm.s32 @p2 $0x1082  }
0x22: {  	[simem:s7], [sflag:s8] =	dma.local @!p0 [hbm:s6], $0xF7A  }
0x23: {  	s9 =	sor.u32 $0xD0000000, s2;
	s6 =	simm.s32 $0x108;
	_ =	swait.ge @!p0 [sflag:s8], $0x0  }
0x24: {  	s3 =	sadd.s32 $0x88, s3;
	s6 =	simm.s32 @!p1 $0x1082;
	[sflag:s4] =	ssyncset.s32 $0xFFFFF086  }
0x25: {  	[simem:s6], [sflag:s4] =	dma.local [hbm:s3], $0xF7A  }
0x26: {  	[smem:$0x3F99] =	sst s1;
	(tag) =	ssettag s2;
	_ =	strace s9  }
0x27: {  	s1 =	sld [smem:$0x3FA9]  }
0x28: {  	s2 =	sld [smem:$0x3FAA]  }
0x29: {  	s4 =	sld [smem:$0x3FAC]  }
0x2a: {  	p0 =	seq.s32 s5, $0x0;
	s5 =	sld [smem:$0x3FAD]  }
0x2b: {  	s6 =	sld [smem:$0x3FAE]  }
0x2c: {  	s7 =	sld [smem:$0x3FAF]  }
0x2d: {  	s3 =	simm.s32 $0x108;
	s8 =	sld [smem:$0x3FB0]  }
0x2e: {  	s3 =	simm.s32 @!p0 $0x1082;
	s9 =	sld [smem:$0x3FB1]  }
0x2f: {  	lr =	sadd.s32 s0, s3;
	s0 =	sld [smem:$0x3FA8]  }
0x30: {  	s3 =	sld [smem:$0x3FAB]  }
0x31: {  	[smem:$0x3FB4] =	sst s10  }
0x32: {  	s10 =	sld [smem:$0x3FB2];
	_ =	sdelay $0x3  }
0x33: {  	p0 =	seq.s32 s10, $0x1;
	s10 =	sld [smem:$0x3FB4];
	_ =	sdelay $0x3  }
0x34: {  	[smem:$0x3FB4] =	sst s10  }
0x35: {  	s10 =	sld [smem:$0x3FB3];
	_ =	sdelay $0x3  }
0x36: {  	p1 =	seq.s32 s10, $0x1;
	s10 =	sld [smem:$0x3FB4];
	_ =	sdelay $0x3  }
0x37: {  	[smem:$0x3FB4] =	sst s10  }
0x38: {  	s10 =	sld [smem:$0x3FB5]  }
0x39: {  	_ = 	snop;
	(pc) =	sbr.ind lr, $3  }
0x3a: {  	_ = 	snop  }
0x3b: {  	_ = 	snop  }
0x3c: {  	p2 =	seq.s32 s10, $0x1;
	s10 =	sld [smem:$0x3FB4]  }
0x3d: {  	_ =	shalt  }
0x3e: {  	_ =	shalt  }
0x3f: {  	_ =	shalt  }
0x40: {  	_ =	shalt  }
0x41: {  	_ =	shalt  }
0x42: {  	_ =	shalt  }
0x43: {  	_ =	shalt  }
0x44: {  	_ =	shalt  }
0x45: {  	_ =	shalt  }
0x46: {  	_ =	shalt  }
0x47: {  	_ =	shalt  }
0x48: {  	_ =	shalt  }
0x49: {  	_ =	shalt  }
0x4a: {  	_ =	shalt  }
0x4b: {  	_ =	shalt  }
0x4c: {  	_ =	shalt  }
0x4d: {  	_ =	shalt  }
0x4e: {  	_ =	shalt  }
0x4f: {  	_ =	shalt  }
0x50: {  	_ =	shalt  }
0x51: {  	_ =	shalt  }
0x52: {  	_ =	shalt  }
0x53: {  	_ =	shalt  }
0x54: {  	_ =	shalt  }
0x55: {  	_ =	shalt  }
0x56: {  	_ =	shalt  }
0x57: {  	_ =	shalt  }
0x58: {  	_ =	shalt  }
0x59: {  	_ =	shalt  }
0x5a: {  	_ =	shalt  }
0x5b: {  	_ =	shalt  }
0x5c: {  	_ =	shalt  }
0x5d: {  	_ =	shalt  }
0x5e: {  	_ =	shalt  }
0x5f: {  	_ =	shalt  }
0x60: {  	_ =	shalt  }
0x61: {  	_ =	shalt  }
0x62: {  	_ =	shalt  }
0x63: {  	_ =	shalt  }
0x64: {  	_ =	shalt  }
0x65: {  	_ =	shalt  }
0x66: {  	_ =	shalt  }
0x67: {  	_ =	shalt  }
0x68: {  	_ =	shalt  }
0x69: {  	_ =	shalt  }
0x6a: {  	_ =	shalt  }
0x6b: {  	_ =	shalt  }
0x6c: {  	_ =	shalt  }
0x6d: {  	_ =	shalt  }
0x6e: {  	_ =	shalt  }
0x6f: {  	_ =	shalt  }
0x70: {  	_ =	shalt  }
0x71: {  	_ =	shalt  }
0x72: {  	_ =	shalt  }
0x73: {  	_ =	shalt  }
0x74: {  	_ =	shalt  }
0x75: {  	_ =	shalt  }
0x76: {  	_ =	shalt  }
0x77: {  	_ =	shalt  }
0x78: {  	_ =	shalt  }
0x79: {  	_ =	shalt  }
0x7a: {  	_ =	shalt  }
0x7b: {  	_ =	shalt  }
0x7c: {  	_ =	shalt  }
0x7d: {  	_ =	shalt  }
0x7e: {  	_ =	shalt  }
0x7f: {  	_ =	shalt  }
0x80: {  	_ =	shalt  }
0x81: {  	_ =	shalt  }
0x82: {  	_ =	shalt  }
0x83: {  	_ =	shalt  }
0x84: {  	_ =	shalt  }
0x85: {  	_ =	shalt  }
0x86: {  	_ =	shalt  }
0x87: {  	_ =	shalt  }
.Lfunc_end0:
.L_simem_size_0:
called_computation.1_lowered:
.L_overlay_start_0:
0x88: {  	s2 =	sld [smem:$0x3FD9]  }
0x89: {  	s3 =	sld [smem:$0x3FFE];
	_ =	sdelay $0x1  }
0x8a: {  	s1 =	srdreg.scid  }
0x8b: {  	s0 =	sand.u32 $0x1, s1  }
0x8c: {  	s17 =	sshll.u32 s0, $0xA;
	s2 =	sadd.s32 s3, s2  }
0x8d: {  	s2 =	sadd.s32 s2, s17  }
0x8e: {  	[smem:$0x3FC0] =	sst s2  }
0x8f: {  	_ = 	snop  }
0x90: {  	s2 =	sld [smem:$0x3FC9];
	(tm) =	ssettm $0x1  }
0x91: {  	s18 =	sld [smem:$0x3FFB];
	_ =	sdelay $0x3  }
0x92: {  	_ =	strace s18  }
0x93: {  	s3 =	sld [smem:$0x3FFC];
	_ =	sdelay $0x3  }
0x94: {  	_ =	strace s3  }
0x95: {  	s3 =	sld [smem:$0x3FFD];
	_ =	sdelay $0x3  }
0x96: {  	_ =	strace s3  }
0x97: {  	_ =	strace $0x8FFFFFFF  }
0x98: {  	s19 =	sld [smem:$0x3FDB];
	_ =	sdelay $0x1  }
0x99: {  	s4 =	simm.s32 $_scs_section_size  }
0x9a: {  	s5 =	simm.s32 $_size__tile_overlayer_lowered;
	s6 =	simm.s32 $_tile_overlayer_lowered  }
0x9b: {  	s22 =	simm.s32 $0x1BFF;
	s21 =	sshll.u32 s6, $0x1;
	s3 =	sadd.s32 s4, s19  }
0x9c: {  	s7 =	simm.s32 $0x0;
	s20 =	sshll.u32 s5, $0x1;
	s5 =	sadd.s32 s21, s3  }
0x9d: {  	[timem:s7], [sflag:s22] =	dma.local [hbm:s5], s20  }
0x9e: {  	_ =	swait.ge [sflag:s22], s20  }
0x9f: {  	s4 =	ssub.s32 $0x0, s20;
	[sflag:s22] =	ssyncset.done $0x0  }
0xa0: {  	[sflag:s22] =	ssyncadd.s32 s4;
	_ =	sdelay $0x1  }
0xa1: {  	s23 =	simm.s32 $0x1B8B  }
0xa2: {  	_ =	swait.ge [sflag:s23], $0x1  }
0xa3: {  	[sflag:s23] =	ssyncset.done $0x0  }
0xa4: {  	s25 =	simm.s32 $0x1B8E;
	s24 =	sld [smem:$0x3FFE];
	[sflag:s23] =	ssyncadd.s32 $0xFFFFFFFF  }
0xa5: {  	s26 =	simm.s32 $execute0_lowered;
	[smem:$0x3FD2] =	sst s25  }
0xa6: {  	s5 =	sshll.u32 s26, $0x1;
	_ =	strace $0x80000046;
	[dreg:$0x1] =	wrdreg $0xFFFFFFFF  }
0xa7: {  	s28 =	simm.s32 $_size_execute0_lowered;
	s3 =	sadd.s32 s3, s5;
	[dreg:$0x0] =	wrdreg $0x0  }
0xa8: {  	s5 =	sshll.u32 s28, $0x1;
	[dreg:$0x2] =	wrdreg s3  }
0xa9: {  	[dreg:$0x3] =	wrdreg s5  }
0xaa: {  	[dreg:$0x4] =	wrdreg $0xC0  }
0xab: {  	_ =	task [dreg:s7], $0x5FFFF  }
0xac: {  	[dreg:$0x1] =	wrdreg $0xFFFFFFFF  }
0xad: {  	[dreg:$0x0] =	wrdreg $0x60  }
0xae: {  	[dreg:$0x2] =	wrdreg s2  }
0xaf: {  	[dreg:$0x3] =	wrdreg s24  }
0xb0: {  	[dreg:$0x4] =	wrdreg $0x42000  }
0xb1: {  	[dreg:$0x5] =	wrdreg $0xA  }
0xb2: {  	_ =	task.clear_ibuf [dreg:s7], $0x6FFFF;
	_ =	strace $0x90000046  }
0xb3: {  	s29 =	simm.s32 $0xA;
	_ =	strace $0x80000048  }
0xb4: {  	_ =	swait.ge [sflag:s29], $0x1  }
0xb5: {  	[sflag:s29] =	ssyncadd.s32 $0xFFFFFFFF  }
0xb6: {  	_ =	strace $0x90000048  }
0xb7: {  	_ =	sfence  }
0xb8: {  	s30 =	sld [smem:$0x0];
	_ =	sdelay $0x2  }
0xb9: {  	s31 =	sshll.u32 s1, $0xD;
	s1 =	sshrl.u32 s1, $0x2  }
0xba: {  	s3 =	sand.u32 $0x4000, s31;
	s1 =	sadd.s32 s1, s30  }
0xbb: {  	s0 =	sor.u32 s3, s0;
	s1 =	sshll.u32 s1, $0x11  }
0xbc: {  	s0 =	sor.u32 s1, s0  }
0xbd: {  	s0 =	sadd.s32 $0x8F2B, s0  }
0xbe: {  	[sflag:s0] =	ssyncadd.remote.s32 $0x1  }
0xbf: {  	_ =	sfence.sel $0xFFFF  }
0xc0: {  	[dreg:$0x0] =	wrdreg $0xFFFFFFFF;
	(pc) =	sbr.abs _section_cstart, $3  }
0xc1: {  	[dreg:$0x1] =	wrdreg $0xFFFFFFFF  }
0xc2: {  	_ =	task.clear_ibuf [dreg:s7], $0x2FFFF;
	_ =	strace $0x9FFFFFFF  }
0xc3: {  	(tm) =	ssettm $0x7FFFFFFF  }
tec
execute0_lowered:
.L_overlay_start_1:
0x0: {  	(tag) =	ssettag $0x1  }
0x1: {  	s1 =	rddreg [dreg:$0x0]  }
0x2: {  	s0 =	rddreg [dreg:$0x1]  }
0x3: {  	s3 =	rddreg [dreg:$0x2]  }
0x4: {  	s2 =	srdreg.scid;
	s10 =	stileid.u32;
	s4 =	simm.s32 $0x0  }
0x5: {  	s28 =	simm.s32 $0x200;
	s29 =	simm.s32 $0x1;
	s30 =	simm.s32 $0x3  }
0x6: {  	s31 =	simm.s32 $0x0;
	s2 =	sand.u32 $0x1, s2;
	s5 =	smul.u32 $0x2800, s10  }
0x7: {  	[smem:$0x7FF] =	sst s4;
	s21 =	sadd.s32 $0xC600, s0;
	s20 =	sadd.s32 $0x2600, s0  }
0x8: {  	s7 =	sadd.s32 $0x16600, s0;
	s19 =	smul.u32 $0x50000, s10;
	s23 =	sshll.u32 s10, $0x6  }
0x9: {  	s6 =	smul.u32 $0x28000, s2;
	_ =	strace $0x80000047;
	[dreg:$0x4] =	wrdreg s7  }
0xa: {  	s18 =	sshll.u32 s2, $0x4;
	s2 =	ssub.s32 $0x2, s2;
	s7 =	sor.u32 $0x1C04, s23  }
0xb: {  	s23 =	simm.s32 $0x80;
	s8 =	sshrl.u32 s2, $0x1;
	s22 =	sshrl.u32 s19, $0x2  }
0xc: {  	s5 =	sadd.s32 s5, s6;
	s6 =	sor.u32 s10, s18;
	s2 =	ssub.s32 s2, s8  }
0xd: {  	s0 =	sadd.s32 s5, s0;
	s9 =	smul.u32 $0x2800, s6;
	s6 =	sadd.s32 s22, s3  }
0xe: {  	s13 =	smax.u32 s2, $0x1;
	s25 =	sor.u32 $0x100, s5;
	s5 =	sor.u32 $0x180, s5  }
0xf: {  	s22 =	simm.s32 $0x4;
	[dreg:$0x5] =	wrdreg s6;
	s12 =	sadd.s32 $0x18E00, s0  }
0x10: {  	s2 =	sshrl.u32 s25, $0x3;
	s26 =	sshrl.u32 s5, $0x3;
	s25 =	simm.s32 $0x180  }
0x11: {  	s16 =	sshrl.u32 s9, $0x3;
	s18 =	sadd.s32 s2, s20;
	s19 =	sadd.s32 s2, s21  }
0x12: {  	s8 =	sadd.s32 s21, s16;
	s9 =	sadd.s32 s20, s16;
	s11 =	sor.u32 $0x10, s16  }
0x13: {  	s15 =	sadd.s32 $0x4F0, s16;
	s24 =	sadd.s32 $0x4E0, s16;
	s10 =	sadd.s32 s21, s11  }
0x14: {  	s11 =	sadd.s32 s20, s11;
	s14 =	sadd.s32 s21, s15;
	s15 =	sadd.s32 s20, s15  }
0x15: {  	s16 =	sadd.s32 s21, s24;
	s17 =	sadd.s32 s20, s24;
	s20 =	sadd.s32 s26, s20  }
0x16: {  	s21 =	sadd.s32 s26, s21;
	s24 =	simm.s32 $0x100;
	s26 =	simm.s32 $0x2  }
.LBB2_1:
0x17: {  	s0 =	rddreg [dreg:$0x5]  }
0x18: {  	s2 =	rddreg [dreg:$0x4];
	s0 =	sshrl.u32 s0, $0x3  }
0x19: {  	[spmem:s0], [sflag:s7] =	dma.local [hbm:s2], $0x2800  }
0x1a: {  	_ =	swait.ge [sflag:s22], $0x2800  }
0x1b: {  	[sflag:s22] =	ssyncset.done $0x0  }
0x1c: {  	[sflag:s22] =	ssyncadd.s32 $0xFFFFD800  }
0x1d: {  	[bflag:$0x0] =	sbarrier.arrive $0xFFFF  }
0x1e: {  	[tilespmem:s4], [sflag:$0x2] =	stream.linear.gather [hbm4b:s8+s4], $0x80, $0x38;
	[tilespmem:$0x18200] =	vst v63  }
0x1f: {  	_ = 	snop  }
0x20: {  	[tilespmem:s23], [sflag:$0x2] =	stream.linear.gather [hbm4b:s9+s4], $0x80, $0x38;
	[tilespmem:$0x18200] =	vst v63  }
0x21: {  	_ = 	snop  }
0x22: {  	[tilespmem:s24], [sflag:$0x3] =	stream.linear.gather [hbm4b:s10+s4], $0x80, $0x38;
	[tilespmem:$0x18200] =	vst v63  }
0x23: {  	_ = 	snop  }
0x24: {  	[tilespmem:s25], [sflag:$0x3] =	stream.linear.gather [hbm4b:s11+s4], $0x80, $0x38;
	[tilespmem:$0x18200] =	vst v63  }
0x25: {  	_ =	swait.ge [sflag:s26], $0x80  }
0x26: {  	[sflag:s26] =	ssyncset.done $0x0  }
0x27: {  	[sflag:s26] =	ssyncadd.s32 $0xFFFFFF80  }
0x28: {  	_ =	swait.ge [sflag:s26], $0x80  }
0x29: {  	[sflag:s26] =	ssyncset.done $0x0  }
0x2a: {  	[sflag:s26] =	ssyncadd.s32 $0xFFFFFF80  }
0x2b: {  	[tilespmem:s28], [sflag:$0x1] =	stream.indirect.gather [hbm4b:s1+s23], $0x80, s4, s23, $0xb8;
	[tilespmem:$0x18200] =	vst v63  }
0x2c: {  	_ =	swait.ge [sflag:s29], $0x4000  }
0x2d: {  	[sflag:s29] =	ssyncset.done $0x0  }
0x2e: {  	[sflag:s29] =	ssyncadd.s32 $0xFFFFC000  }
0x2f: {  	[spmem:s3] =	stream.indirect.scatter.add.f32 [tilespmem:s28], [sflag:$0x4], $0x80, s23, s23, $0xb8;
	[tilespmem:$0x18200] =	vst v63  }
0x30: {  	_ =	swait.ge [sflag:s22], $0x4000  }
0x31: {  	[sflag:s22] =	ssyncset.done $0x0  }
0x32: {  	s6 =	sadd.s32 $0x0, s19;
	[sflag:s22] =	ssyncadd.s32 $0xFFFFC000  }
0x33: {  	[tilespmem:s4], [sflag:$0x2] =	stream.linear.gather [hbm4b:s6+s4], $0x80, $0x38;
	[tilespmem:$0x18200] =	vst v63  }
0x34: {  	s5 =	sadd.s32 $0x0, s18  }
0x35: {  	[tilespmem:s23], [sflag:$0x2] =	stream.linear.gather [hbm4b:s5+s4], $0x80, $0x38;
	[tilespmem:$0x18200] =	vst v63  }
0x36: {  	_ =	swait.ge [sflag:s30], $0x80  }
0x37: {  	[sflag:s30] =	ssyncset.done $0x0  }
0x38: {  	[sflag:s30] =	ssyncadd.s32 $0xFFFFFF80  }
0x39: {  	_ =	swait.ge [sflag:s30], $0x80  }
0x3a: {  	[sflag:s30] =	ssyncset.done $0x0  }
0x3b: {  	[sflag:s30] =	ssyncadd.s32 $0xFFFFFF80  }
0x3c: {  	[tilespmem:s28], [sflag:$0x1] =	stream.indirect.gather [hbm4b:s1+s23], $0x80, s24, s23, $0xb8;
	[tilespmem:$0x18200] =	vst v63  }
0x3d: {  	_ =	swait.ge [sflag:s29], $0x4000  }
0x3e: {  	[sflag:s29] =	ssyncset.done $0x0  }
0x3f: {  	[sflag:s29] =	ssyncadd.s32 $0xFFFFC000  }
0x40: {  	[spmem:s3] =	stream.indirect.scatter.add.f32 [tilespmem:s28], [sflag:$0x4], $0x80, s25, s23, $0xb8;
	[tilespmem:$0x18200] =	vst v63  }
0x41: {  	_ =	swait.ge [sflag:s22], $0x4000  }
0x42: {  	s2 =	simm.s32 $0x20;
	[sflag:s22] =	ssyncset.done $0x0  }
0x43: {  	s6 =	sadd.s32 $0x0, s21;
	s5 =	sadd.s32 $0x0, s20;
	[sflag:s22] =	ssyncadd.s32 $0xFFFFC000  }
0x44: {  	[tilespmem:s24], [sflag:$0x3] =	stream.linear.gather [hbm4b:s6+s4], $0x80, $0x38;
	[tilespmem:$0x18200] =	vst v63  }
.LBB2_2:
0x45: {  	[tilespmem:s25], [sflag:$0x3] =	stream.linear.gather [hbm4b:s5+s4], $0x80, $0x38;
	[tilespmem:$0x18200] =	vst v63  }
0x46: {  	s5 =	smov.u32 s2  }
0x47: {  	p0 =	sne.s32 s2, $0x4A0;
	s2 =	sadd.s32 $0x20, s2;
	_ =	swait.ge [sflag:s26], $0x80  }
0x48: {  	[sflag:s26] =	ssyncset.done $0x0  }
0x49: {  	[sflag:s26] =	ssyncadd.s32 $0xFFFFFF80  }
0x4a: {  	_ =	swait.ge [sflag:s26], $0x80  }
0x4b: {  	[sflag:s26] =	ssyncset.done $0x0  }
0x4c: {  	[sflag:s26] =	ssyncadd.s32 $0xFFFFFF80  }
0x4d: {  	[tilespmem:s28], [sflag:$0x1] =	stream.indirect.gather [hbm4b:s1+s23], $0x80, s4, s23, $0xb8;
	[tilespmem:$0x18200] =	vst v63  }
0x4e: {  	_ =	swait.ge [sflag:s29], $0x4000  }
0x4f: {  	[sflag:s29] =	ssyncset.done $0x0  }
0x50: {  	[sflag:s29] =	ssyncadd.s32 $0xFFFFC000  }
0x51: {  	[spmem:s3] =	stream.indirect.scatter.add.f32 [tilespmem:s28], [sflag:$0x4], $0x80, s23, s23, $0xb8;
	[tilespmem:$0x18200] =	vst v63  }
0x52: {  	_ =	swait.ge [sflag:s22], $0x4000  }
0x53: {  	[sflag:s22] =	ssyncset.done $0x0  }
0x54: {  	s6 =	sadd.s32 s5, s19;
	[sflag:s22] =	ssyncadd.s32 $0xFFFFC000  }
0x55: {  	[tilespmem:s4], [sflag:$0x2] =	stream.linear.gather [hbm4b:s6+s4], $0x80, $0x38;
	[tilespmem:$0x18200] =	vst v63  }
0x56: {  	s6 =	sadd.s32 s5, s18  }
0x57: {  	[tilespmem:s23], [sflag:$0x2] =	stream.linear.gather [hbm4b:s6+s4], $0x80, $0x38;
	[tilespmem:$0x18200] =	vst v63  }
0x58: {  	_ =	swait.ge [sflag:s30], $0x80  }
0x59: {  	[sflag:s30] =	ssyncset.done $0x0  }
0x5a: {  	[sflag:s30] =	ssyncadd.s32 $0xFFFFFF80  }
0x5b: {  	_ =	swait.ge [sflag:s30], $0x80  }
0x5c: {  	[sflag:s30] =	ssyncset.done $0x0  }
0x5d: {  	[sflag:s30] =	ssyncadd.s32 $0xFFFFFF80  }
0x5e: {  	[tilespmem:s28], [sflag:$0x1] =	stream.indirect.gather [hbm4b:s1+s23], $0x80, s24, s23, $0xb8;
	[tilespmem:$0x18200] =	vst v63  }
0x5f: {  	_ =	swait.ge [sflag:s29], $0x4000  }
0x60: {  	[sflag:s29] =	ssyncset.done $0x0  }
0x61: {  	[sflag:s29] =	ssyncadd.s32 $0xFFFFC000  }
0x62: {  	[spmem:s3] =	stream.indirect.scatter.add.f32 [tilespmem:s28], [sflag:$0x4], $0x80, s25, s23, $0xb8;
	[tilespmem:$0x18200] =	vst v63  }
.Ltmp0:
0x63: {  	_ =	swait.ge [sflag:s22], $0x4000;
	(pc) =	sbr.rel @p0 .LBB2_2-.Ltmp0, $4  }
0x64: {  	[sflag:s22] =	ssyncset.done $0x0  }
0x65: {  	s6 =	sadd.s32 s5, s21;
	[sflag:s22] =	ssyncadd.s32 $0xFFFFC000  }
0x66: {  	[tilespmem:s24], [sflag:$0x3] =	stream.linear.gather [hbm4b:s6+s4], $0x80, $0x38;
	[tilespmem:$0x18200] =	vst v63  }
0x67: {  	s5 =	sadd.s32 s5, s20  }
0x68: {  	[tilespmem:s25], [sflag:$0x3] =	stream.linear.gather [hbm4b:s5+s4], $0x80, $0x38;
	[tilespmem:$0x18200] =	vst v63  }
0x69: {  	_ =	swait.ge [sflag:s26], $0x80  }
0x6a: {  	[sflag:s26] =	ssyncset.done $0x0  }
0x6b: {  	[sflag:s26] =	ssyncadd.s32 $0xFFFFFF80  }
0x6c: {  	_ =	swait.ge [sflag:s26], $0x80  }
0x6d: {  	[sflag:s26] =	ssyncset.done $0x0  }
0x6e: {  	[sflag:s26] =	ssyncadd.s32 $0xFFFFFF80  }
0x6f: {  	[tilespmem:s28], [sflag:$0x1] =	stream.indirect.gather [hbm4b:s1+s23], $0x80, s4, s23, $0xb8;
	[tilespmem:$0x18200] =	vst v63  }
0x70: {  	_ =	swait.ge [sflag:s29], $0x4000  }
0x71: {  	[sflag:s29] =	ssyncset.done $0x0  }
0x72: {  	[sflag:s29] =	ssyncadd.s32 $0xFFFFC000  }
0x73: {  	[spmem:s3] =	stream.indirect.scatter.add.f32 [tilespmem:s28], [sflag:$0x4], $0x80, s23, s23, $0xb8;
	[tilespmem:$0x18200] =	vst v63  }
0x74: {  	_ =	swait.ge [sflag:s22], $0x4000  }
0x75: {  	[sflag:s22] =	ssyncset.done $0x0  }
0x76: {  	[sflag:s22] =	ssyncadd.s32 $0xFFFFC000  }
0x77: {  	[tilespmem:s4], [sflag:$0x2] =	stream.linear.gather [hbm4b:s16+s4], $0x80, $0x38;
	[tilespmem:$0x18200] =	vst v63  }
0x78: {  	_ = 	snop  }
0x79: {  	[tilespmem:s23], [sflag:$0x2] =	stream.linear.gather [hbm4b:s17+s4], $0x80, $0x38;
	[tilespmem:$0x18200] =	vst v63  }
0x7a: {  	_ =	swait.ge [sflag:s30], $0x80  }
0x7b: {  	[sflag:s30] =	ssyncset.done $0x0  }
0x7c: {  	[sflag:s30] =	ssyncadd.s32 $0xFFFFFF80  }
0x7d: {  	_ =	swait.ge [sflag:s30], $0x80  }
0x7e: {  	[sflag:s30] =	ssyncset.done $0x0  }
0x7f: {  	[sflag:s30] =	ssyncadd.s32 $0xFFFFFF80  }
0x80: {  	[tilespmem:s28], [sflag:$0x1] =	stream.indirect.gather [hbm4b:s1+s23], $0x80, s24, s23, $0xb8;
	[tilespmem:$0x18200] =	vst v63  }
0x81: {  	_ =	swait.ge [sflag:s29], $0x4000  }
0x82: {  	[sflag:s29] =	ssyncset.done $0x0  }
0x83: {  	[sflag:s29] =	ssyncadd.s32 $0xFFFFC000  }
0x84: {  	[spmem:s3] =	stream.indirect.scatter.add.f32 [tilespmem:s28], [sflag:$0x4], $0x80, s25, s23, $0xb8;
	[tilespmem:$0x18200] =	vst v63  }
0x85: {  	_ =	swait.ge [sflag:s22], $0x4000  }
0x86: {  	[sflag:s22] =	ssyncset.done $0x0  }
0x87: {  	[sflag:s22] =	ssyncadd.s32 $0xFFFFC000  }
0x88: {  	[tilespmem:s24], [sflag:$0x3] =	stream.linear.gather [hbm4b:s14+s4], $0x80, $0x38;
	[tilespmem:$0x18200] =	vst v63  }
0x89: {  	_ = 	snop  }
0x8a: {  	[tilespmem:s25], [sflag:$0x3] =	stream.linear.gather [hbm4b:s15+s4], $0x80, $0x38;
	[tilespmem:$0x18200] =	vst v63  }
0x8b: {  	_ =	swait.ge [sflag:s26], $0x80  }
0x8c: {  	[sflag:s26] =	ssyncset.done $0x0  }
0x8d: {  	[sflag:s26] =	ssyncadd.s32 $0xFFFFFF80  }
0x8e: {  	_ =	swait.ge [sflag:s26], $0x80  }
0x8f: {  	[sflag:s26] =	ssyncset.done $0x0  }
0x90: {  	[sflag:s26] =	ssyncadd.s32 $0xFFFFFF80  }
0x91: {  	[tilespmem:s28], [sflag:$0x1] =	stream.indirect.gather [hbm4b:s1+s23], $0x80, s4, s23, $0xb8;
	[tilespmem:$0x18200] =	vst v63  }
0x92: {  	_ =	swait.ge [sflag:s29], $0x4000  }
0x93: {  	[sflag:s29] =	ssyncset.done $0x0  }
0x94: {  	[sflag:s29] =	ssyncadd.s32 $0xFFFFC000  }
0x95: {  	[spmem:s3] =	stream.indirect.scatter.add.f32 [tilespmem:s28], [sflag:$0x4], $0x80, s23, s23, $0xb8;
	[tilespmem:$0x18200] =	vst v63  }
0x96: {  	_ =	swait.ge [sflag:s22], $0x4000  }
0x97: {  	[sflag:s22] =	ssyncset.done $0x0  }
0x98: {  	[sflag:s22] =	ssyncadd.s32 $0xFFFFC000  }
0x99: {  	[tilespmem:s4], [sflag:$0x2] =	stream.linear.gather [hbm4b:s14+s4], $0x80, $0x38;
	[tilespmem:$0x18200] =	vst v63  }
0x9a: {  	_ = 	snop  }
0x9b: {  	[tilespmem:s23], [sflag:$0x2] =	stream.linear.gather [hbm4b:s15+s4], $0x80, $0x38;
	[tilespmem:$0x18200] =	vst v63  }
0x9c: {  	_ =	swait.ge [sflag:s30], $0x80  }
0x9d: {  	[sflag:s30] =	ssyncset.done $0x0  }
0x9e: {  	[sflag:s30] =	ssyncadd.s32 $0xFFFFFF80  }
0x9f: {  	_ =	swait.ge [sflag:s30], $0x80  }
0xa0: {  	[sflag:s30] =	ssyncset.done $0x0  }
0xa1: {  	[sflag:s30] =	ssyncadd.s32 $0xFFFFFF80  }
0xa2: {  	[tilespmem:s28], [sflag:$0x1] =	stream.indirect.gather [hbm4b:s1+s23], $0x80, s24, s23, $0xb8;
	[tilespmem:$0x18200] =	vst v63  }
0xa3: {  	_ =	swait.ge [sflag:s29], $0x4000  }
0xa4: {  	[sflag:s29] =	ssyncset.done $0x0  }
0xa5: {  	[sflag:s29] =	ssyncadd.s32 $0xFFFFC000  }
0xa6: {  	[spmem:s3] =	stream.indirect.scatter.add.f32 [tilespmem:s28], [sflag:$0x4], $0x80, s25, s23, $0xb8;
	[tilespmem:$0x18200] =	vst v63  }
0xa7: {  	_ =	swait.ge [sflag:s22], $0x4000  }
0xa8: {  	[sflag:s22] =	ssyncset.done $0x0  }
0xa9: {  	[sflag:s22] =	ssyncadd.s32 $0xFFFFC000  }
0xaa: {  	[tilespmem:s24], [sflag:$0x3] =	stream.linear.gather [hbm4b:s14+s4], $0x80, $0x38;
	[tilespmem:$0x18200] =	vst v63  }
0xab: {  	_ = 	snop  }
0xac: {  	[tilespmem:s25], [sflag:$0x3] =	stream.linear.gather [hbm4b:s15+s4], $0x80, $0x38;
	[tilespmem:$0x18200] =	vst v63  }
0xad: {  	_ =	swait.ge [sflag:s26], $0x80  }
0xae: {  	[sflag:s26] =	ssyncset.done $0x0  }
0xaf: {  	[sflag:s26] =	ssyncadd.s32 $0xFFFFFF80  }
0xb0: {  	_ =	swait.ge [sflag:s26], $0x80  }
0xb1: {  	[sflag:s26] =	ssyncset.done $0x0  }
0xb2: {  	[sflag:s26] =	ssyncadd.s32 $0xFFFFFF80  }
0xb3: {  	_ =	swait.ge [sflag:s30], $0x80  }
0xb4: {  	[sflag:s30] =	ssyncset.done $0x0  }
0xb5: {  	[sflag:s30] =	ssyncadd.s32 $0xFFFFFF80  }
0xb6: {  	_ =	swait.ge [sflag:s30], $0x80  }
0xb7: {  	s31 =	sadd.s32 $0x1, s31;
	[sflag:s30] =	ssyncset.done $0x0  }
0xb8: {  	p0 =	sne.s32 s31, s13;
	[sflag:s30] =	ssyncadd.s32 $0xFFFFFF80  }
.Ltmp1:
0xb9: {  	[bflag:$0x0] =	sbarrier.arrive $0xFFFF;
	(pc) =	sbr.rel @p0 .LBB2_1-.Ltmp1, $4  }
0xba: {  	[hbm:s12], [sflag:s7] =	dma.local [spmem:s0], $0x2800  }
0xbb: {  	_ =	swait.ge [sflag:s22], $0x2800  }
0xbc: {  	[sflag:s22] =	ssyncset.done $0x0  }
0xbd: {  	[sflag:s22] =	ssyncadd.s32 $0xFFFFD800  }
0xbe: {  	_ =	sfence.sel $0x180000  }
0xbf: {  	[bflag:$0x0] =	sbarrier.arrive $0xFFFF  }
0xc0: {  	_ =	strace $0x90000047  }
0xc1: {  	s0 =	stileid.u32;
	[bflag:$0x2] =	sbarrier.arrive $0xFFFF  }
0xc2: {  	p0 =	sne.s32 s0, $0x0;
	s0 =	rddreg [dreg:$0x3]  }
0xc3: {  	s0 =	sadd.s32 @!p0 $0x100000, s0  }
0xc4: {  	[sflag:s0] =	ssyncadd.tile.s32 @!p0 $0x1;
	_ =	shalt  }
.Lfunc_end2:
_tile_overlayer_lowered:
.L_overlay_start_2:
0xc5: {  	(tag) =	ssettag $0x2  }
0xc6: {  	s0 =	rddreg [dreg:$0x0];
	s2 =	stileid.u32  }
0xc7: {  	s1 =	rddreg [dreg:$0x1];
	p0 =	sne.s32 s2, $0x0  }
0xc8: {  	s3 =	rddreg [dreg:$0x2];
	[bflag:$0x3] =	sbarrier.arrive $0xFFFF;
	s2 =	simm.s32 @!p0 $0x1C04  }
0xc9: {  	[timem:s3], [sflag:s2] =	dma.local @!p0 [hbm:s0], s1  }
0xca: {  	s0 =	simm.s32 @!p0 $0x4  }
0xcb: {  	_ =	swait.ge @!p0 [sflag:s0], s1  }
0xcc: {  	s1 =	ssub.s32 @!p0 $0x0, s1;
	[sflag:s0] =	ssyncset.done @!p0 $0x0  }
0xcd: {  	[sflag:s0] =	ssyncadd.s32 @!p0 s1  }
0xce: {  	[bflag:$0x3] =	sbarrier.arrive $0xFFFF  }
0xcf: {  	_ =	shalt  }

// kernel: kernel.13.cloned.1.call-start
scs
__scs_entry_jumppad:
0x0: {  	(pc) =	sbr.rel $0x88, $3  }
0x1: {  	(tag) =	ssettag $0x0;
	lr =	simm.s32 $0x1  }
0x2: {  	[smem:$0x3F99] =	sst lr;
	_ =	strace $0xD0000000  }
0x3: {  	_ = 	snop  }
0x4: {  	_ = 	snop  }
0x5: {  	_ = 	snop  }
0x6: {  	_ = 	snop  }
0x7: {  	_ = 	snop  }
__scs_overlays_trampoline_lowered:
0x8: {  	[smem:$0x3FA8] =	sst s0  }
0x9: {  	[smem:$0x3FA9] =	sst s1  }
0xa: {  	[smem:$0x3FAA] =	sst s2  }
0xb: {  	[smem:$0x3FAB] =	sst s3  }
0xc: {  	[smem:$0x3FAC] =	sst s4  }
0xd: {  	[smem:$0x3FAD] =	sst s5  }
0xe: {  	[smem:$0x3FAE] =	sst s6  }
0xf: {  	[smem:$0x3FAF] =	sst s7  }
0x10: {  	[smem:$0x3FB0] =	sst s8  }
0x11: {  	[smem:$0x3FB1] =	sst s9;
	s0 =	simm.s32 @!p0 $0x0  }
0x12: {  	s1 =	sld [smem:$0x3F97];
	s0 =	simm.s32 @p0 $0x1  }
0x13: {  	[smem:$0x3FB2] =	sst s0;
	s0 =	simm.s32 @!p1 $0x0  }
0x14: {  	s2 =	sld [smem:$0x3F96];
	s0 =	simm.s32 @p1 $0x1  }
0x15: {  	[smem:$0x3FB3] =	sst s0;
	s0 =	simm.s32 @!p2 $0x0  }
0x16: {  	s3 =	sld [smem:$0x3FDB];
	s0 =	simm.s32 @p2 $0x1  }
0x17: {  	s4 =	simm.s32 $0x1BF5;
	[smem:$0x3FB5] =	sst s0  }
0x18: {  	s0 =	sld [smem:$0x3F98];
	_ =	swait.ge [sflag:s4], $0x0  }
0x19: {  	s7 =	sld [smem:$0x3F99]  }
0x1a: {  	s8 =	sadd.s32 $0xFFFFE003, lr  }
0x1b: {  	s9 =	sadd.s32 $0xFFFFFEF7, lr;
	s5 =	simm.s32 $0xFFFFFFFF;
	p2 =	slt.u32 s8, $0xFFFFF086  }
0x1c: {  	p1 =	slt.u32 s9, $0xF7A;
	s5 =	simm.s32 @!p2 $0x0  }
0x1d: {  	s5 =	simm.s32 @p1 $0x1;
	p0 =	seq.s32 s7, s2  }
0x1e: {  	s7 =	smul.u32 @!p0 $0xF7A, s2;
	p2 =	seq.s32 @!p0 s5, $0x0  }
0x1f: {  	s9 =	smul.u32 $0xF7A, s1;
	s8 =	simm.s32 @!p0 $0x1BF5;
	p2 =	por !p2, p0  }
0x20: {  	[sflag:s8] =	ssyncset.s32 @!p0 $0xFFFFF086;
	s6 =	sadd.s32 @!p0 s3, s7;
	s7 =	simm.s32 @!p0 $0x108  }
0x21: {  	s3 =	sadd.s32 s3, s9;
	s6 =	sadd.s32 @!p0 $0x88, s6;
	s7 =	simm.s32 @p2 $0x1082  }
0x22: {  	[simem:s7], [sflag:s8] =	dma.local @!p0 [hbm:s6], $0xF7A  }
0x23: {  	s9 =	sor.u32 $0xD0000000, s2;
	s6 =	simm.s32 $0x108;
	_ =	swait.ge @!p0 [sflag:s8], $0x0  }
0x24: {  	s3 =	sadd.s32 $0x88, s3;
	s6 =	simm.s32 @!p1 $0x1082;
	[sflag:s4] =	ssyncset.s32 $0xFFFFF086  }
0x25: {  	[simem:s6], [sflag:s4] =	dma.local [hbm:s3], $0xF7A  }
0x26: {  	[smem:$0x3F99] =	sst s1;
	(tag) =	ssettag s2;
	_ =	strace s9  }
0x27: {  	s1 =	sld [smem:$0x3FA9]  }
0x28: {  	s2 =	sld [smem:$0x3FAA]  }
0x29: {  	s4 =	sld [smem:$0x3FAC]  }
0x2a: {  	p0 =	seq.s32 s5, $0x0;
	s5 =	sld [smem:$0x3FAD]  }
0x2b: {  	s6 =	sld [smem:$0x3FAE]  }
0x2c: {  	s7 =	sld [smem:$0x3FAF]  }
0x2d: {  	s3 =	simm.s32 $0x108;
	s8 =	sld [smem:$0x3FB0]  }
0x2e: {  	s3 =	simm.s32 @!p0 $0x1082;
	s9 =	sld [smem:$0x3FB1]  }
0x2f: {  	lr =	sadd.s32 s0, s3;
	s0 =	sld [smem:$0x3FA8]  }
0x30: {  	s3 =	sld [smem:$0x3FAB]  }
0x31: {  	[smem:$0x3FB4] =	sst s10  }
0x32: {  	s10 =	sld [smem:$0x3FB2];
	_ =	sdelay $0x3  }
0x33: {  	p0 =	seq.s32 s10, $0x1;
	s10 =	sld [smem:$0x3FB4];
	_ =	sdelay $0x3  }
0x34: {  	[smem:$0x3FB4] =	sst s10  }
0x35: {  	s10 =	sld [smem:$0x3FB3];
	_ =	sdelay $0x3  }
0x36: {  	p1 =	seq.s32 s10, $0x1;
	s10 =	sld [smem:$0x3FB4];
	_ =	sdelay $0x3  }
0x37: {  	[smem:$0x3FB4] =	sst s10  }
0x38: {  	s10 =	sld [smem:$0x3FB5]  }
0x39: {  	_ = 	snop;
	(pc) =	sbr.ind lr, $3  }
0x3a: {  	_ = 	snop  }
0x3b: {  	_ = 	snop  }
0x3c: {  	p2 =	seq.s32 s10, $0x1;
	s10 =	sld [smem:$0x3FB4]  }
0x3d: {  	_ =	shalt  }
0x3e: {  	_ =	shalt  }
0x3f: {  	_ =	shalt  }
0x40: {  	_ =	shalt  }
0x41: {  	_ =	shalt  }
0x42: {  	_ =	shalt  }
0x43: {  	_ =	shalt  }
0x44: {  	_ =	shalt  }
0x45: {  	_ =	shalt  }
0x46: {  	_ =	shalt  }
0x47: {  	_ =	shalt  }
0x48: {  	_ =	shalt  }
0x49: {  	_ =	shalt  }
0x4a: {  	_ =	shalt  }
0x4b: {  	_ =	shalt  }
0x4c: {  	_ =	shalt  }
0x4d: {  	_ =	shalt  }
0x4e: {  	_ =	shalt  }
0x4f: {  	_ =	shalt  }
0x50: {  	_ =	shalt  }
0x51: {  	_ =	shalt  }
0x52: {  	_ =	shalt  }
0x53: {  	_ =	shalt  }
0x54: {  	_ =	shalt  }
0x55: {  	_ =	shalt  }
0x56: {  	_ =	shalt  }
0x57: {  	_ =	shalt  }
0x58: {  	_ =	shalt  }
0x59: {  	_ =	shalt  }
0x5a: {  	_ =	shalt  }
0x5b: {  	_ =	shalt  }
0x5c: {  	_ =	shalt  }
0x5d: {  	_ =	shalt  }
0x5e: {  	_ =	shalt  }
0x5f: {  	_ =	shalt  }
0x60: {  	_ =	shalt  }
0x61: {  	_ =	shalt  }
0x62: {  	_ =	shalt  }
0x63: {  	_ =	shalt  }
0x64: {  	_ =	shalt  }
0x65: {  	_ =	shalt  }
0x66: {  	_ =	shalt  }
0x67: {  	_ =	shalt  }
0x68: {  	_ =	shalt  }
0x69: {  	_ =	shalt  }
0x6a: {  	_ =	shalt  }
0x6b: {  	_ =	shalt  }
0x6c: {  	_ =	shalt  }
0x6d: {  	_ =	shalt  }
0x6e: {  	_ =	shalt  }
0x6f: {  	_ =	shalt  }
0x70: {  	_ =	shalt  }
0x71: {  	_ =	shalt  }
0x72: {  	_ =	shalt  }
0x73: {  	_ =	shalt  }
0x74: {  	_ =	shalt  }
0x75: {  	_ =	shalt  }
0x76: {  	_ =	shalt  }
0x77: {  	_ =	shalt  }
0x78: {  	_ =	shalt  }
0x79: {  	_ =	shalt  }
0x7a: {  	_ =	shalt  }
0x7b: {  	_ =	shalt  }
0x7c: {  	_ =	shalt  }
0x7d: {  	_ =	shalt  }
0x7e: {  	_ =	shalt  }
0x7f: {  	_ =	shalt  }
0x80: {  	_ =	shalt  }
0x81: {  	_ =	shalt  }
0x82: {  	_ =	shalt  }
0x83: {  	_ =	shalt  }
0x84: {  	_ =	shalt  }
0x85: {  	_ =	shalt  }
0x86: {  	_ =	shalt  }
0x87: {  	_ =	shalt  }
.Lfunc_end0:
.L_simem_size_0:
called_computation.2_lowered:
.L_overlay_start_0:
0x88: {  	s2 =	sld [smem:$0x3FD9]  }
0x89: {  	s3 =	sld [smem:$0x3FFE];
	_ =	sdelay $0x1  }
0x8a: {  	s1 =	srdreg.scid  }
0x8b: {  	s0 =	sand.u32 $0x1, s1  }
0x8c: {  	s17 =	sshll.u32 s0, $0xA;
	s2 =	sadd.s32 s3, s2  }
0x8d: {  	s2 =	sadd.s32 s2, s17  }
0x8e: {  	[smem:$0x3FC0] =	sst s2  }
0x8f: {  	_ = 	snop  }
0x90: {  	s2 =	sld [smem:$0x3FD0];
	(tm) =	ssettm $0x1  }
0x91: {  	s18 =	sld [smem:$0x3FFB];
	_ =	sdelay $0x3  }
0x92: {  	_ =	strace s18  }
0x93: {  	s3 =	sld [smem:$0x3FFC];
	_ =	sdelay $0x3  }
0x94: {  	_ =	strace s3  }
0x95: {  	s3 =	sld [smem:$0x3FFD];
	_ =	sdelay $0x3  }
0x96: {  	_ =	strace s3  }
0x97: {  	_ =	strace $0x8FFFFFFF  }
0x98: {  	s19 =	sld [smem:$0x3FDB];
	_ =	sdelay $0x1  }
0x99: {  	s4 =	simm.s32 $_scs_section_size  }
0x9a: {  	s5 =	simm.s32 $_size__tile_overlayer_lowered;
	s6 =	simm.s32 $_tile_overlayer_lowered  }
0x9b: {  	s22 =	simm.s32 $0x1BFF;
	s21 =	sshll.u32 s6, $0x1;
	s3 =	sadd.s32 s4, s19  }
0x9c: {  	s7 =	simm.s32 $0x0;
	s20 =	sshll.u32 s5, $0x1;
	s5 =	sadd.s32 s21, s3  }
0x9d: {  	[timem:s7], [sflag:s22] =	dma.local [hbm:s5], s20  }
0x9e: {  	_ =	swait.ge [sflag:s22], s20  }
0x9f: {  	s4 =	ssub.s32 $0x0, s20;
	[sflag:s22] =	ssyncset.done $0x0  }
0xa0: {  	[sflag:s22] =	ssyncadd.s32 s4;
	_ =	sdelay $0x1  }
0xa1: {  	s23 =	simm.s32 $0x1B8B  }
0xa2: {  	_ =	swait.ge [sflag:s23], $0x1  }
0xa3: {  	[sflag:s23] =	ssyncset.done $0x0  }
0xa4: {  	s25 =	simm.s32 $0x1B8E;
	s24 =	sld [smem:$0x3FFE];
	[sflag:s23] =	ssyncadd.s32 $0xFFFFFFFF  }
0xa5: {  	s26 =	simm.s32 $execute0_lowered;
	[smem:$0x3FD2] =	sst s25  }
0xa6: {  	s5 =	sshll.u32 s26, $0x1;
	_ =	strace $0x8000004C;
	[dreg:$0x1] =	wrdreg $0xFFFFFFFF  }
0xa7: {  	s28 =	simm.s32 $_size_execute0_lowered;
	s3 =	sadd.s32 s3, s5;
	[dreg:$0x0] =	wrdreg $0x0  }
0xa8: {  	s5 =	sshll.u32 s28, $0x1;
	[dreg:$0x2] =	wrdreg s3  }
0xa9: {  	[dreg:$0x3] =	wrdreg s5  }
0xaa: {  	[dreg:$0x4] =	wrdreg $0xC0  }
0xab: {  	_ =	task [dreg:s7], $0x5FFFF  }
0xac: {  	[dreg:$0x1] =	wrdreg $0xFFFFFFFF  }
0xad: {  	[dreg:$0x0] =	wrdreg $0x60  }
0xae: {  	[dreg:$0x2] =	wrdreg s2  }
0xaf: {  	[dreg:$0x3] =	wrdreg s24  }
0xb0: {  	[dreg:$0x4] =	wrdreg $0x42000  }
0xb1: {  	[dreg:$0x5] =	wrdreg $0x9  }
0xb2: {  	_ =	task.clear_ibuf [dreg:s7], $0x6FFFF;
	_ =	strace $0x9000004C  }
0xb3: {  	s29 =	simm.s32 $0x9;
	_ =	strace $0x8000004E  }
0xb4: {  	_ =	swait.ge [sflag:s29], $0x1  }
0xb5: {  	[sflag:s29] =	ssyncadd.s32 $0xFFFFFFFF  }
0xb6: {  	_ =	strace $0x9000004E  }
0xb7: {  	_ =	sfence  }
0xb8: {  	s30 =	sld [smem:$0x0];
	_ =	sdelay $0x2  }
0xb9: {  	s31 =	sshll.u32 s1, $0xD;
	s1 =	sshrl.u32 s1, $0x2  }
0xba: {  	s3 =	sand.u32 $0x4000, s31;
	s1 =	sadd.s32 s1, s30  }
0xbb: {  	s0 =	sor.u32 s3, s0;
	s1 =	sshll.u32 s1, $0x11  }
0xbc: {  	s0 =	sor.u32 s1, s0  }
0xbd: {  	s0 =	sadd.s32 $0x8F2B, s0  }
0xbe: {  	[sflag:s0] =	ssyncadd.remote.s32 $0x1  }
0xbf: {  	_ =	sfence.sel $0xFFFF  }
0xc0: {  	[dreg:$0x0] =	wrdreg $0xFFFFFFFF;
	(pc) =	sbr.abs _section_cstart, $3  }
0xc1: {  	[dreg:$0x1] =	wrdreg $0xFFFFFFFF  }
0xc2: {  	_ =	task.clear_ibuf [dreg:s7], $0x2FFFF;
	_ =	strace $0x9FFFFFFF  }
0xc3: {  	(tm) =	ssettm $0x7FFFFFFF  }
tec
execute0_lowered:
.L_overlay_start_1:
0x0: {  	(tag) =	ssettag $0x1  }
0x1: {  	s1 =	rddreg [dreg:$0x0]  }
0x2: {  	s0 =	rddreg [dreg:$0x1]  }
0x3: {  	s3 =	rddreg [dreg:$0x2]  }
0x4: {  	s2 =	srdreg.scid;
	s10 =	stileid.u32;
	s4 =	simm.s32 $0x0  }
0x5: {  	s28 =	simm.s32 $0x200;
	s29 =	simm.s32 $0x1;
	s30 =	simm.s32 $0x3  }
0x6: {  	s31 =	simm.s32 $0x0;
	s2 =	sand.u32 $0x1, s2;
	s5 =	smul.u32 $0x2800, s10  }
0x7: {  	[smem:$0x7FF] =	sst s4;
	s21 =	sadd.s32 $0xC600, s0;
	s20 =	sadd.s32 $0x2600, s0  }
0x8: {  	s7 =	sadd.s32 $0x16600, s0;
	s19 =	smul.u32 $0x50000, s10;
	s23 =	sshll.u32 s10, $0x6  }
0x9: {  	s6 =	smul.u32 $0x28000, s2;
	_ =	strace $0x8000004D;
	[dreg:$0x4] =	wrdreg s7  }
0xa: {  	s18 =	sshll.u32 s2, $0x4;
	s2 =	ssub.s32 $0x2, s2;
	s7 =	sor.u32 $0x1C04, s23  }
0xb: {  	s23 =	simm.s32 $0x80;
	s8 =	sshrl.u32 s2, $0x1;
	s22 =	sshrl.u32 s19, $0x2  }
0xc: {  	s5 =	sadd.s32 s5, s6;
	s6 =	sor.u32 s10, s18;
	s2 =	ssub.s32 s2, s8  }
0xd: {  	s0 =	sadd.s32 s5, s0;
	s9 =	smul.u32 $0x2800, s6;
	s6 =	sadd.s32 s22, s3  }
0xe: {  	s13 =	smax.u32 s2, $0x1;
	s25 =	sor.u32 $0x100, s5;
	s5 =	sor.u32 $0x180, s5  }
0xf: {  	s22 =	simm.s32 $0x4;
	[dreg:$0x5] =	wrdreg s6;
	s12 =	sadd.s32 $0x18E00, s0  }
0x10: {  	s2 =	sshrl.u32 s25, $0x3;
	s26 =	sshrl.u32 s5, $0x3;
	s25 =	simm.s32 $0x180  }
0x11: {  	s16 =	sshrl.u32 s9, $0x3;
	s18 =	sadd.s32 s2, s20;
	s19 =	sadd.s32 s2, s21  }
0x12: {  	s8 =	sadd.s32 s21, s16;
	s9 =	sadd.s32 s20, s16;
	s11 =	sor.u32 $0x10, s16  }
0x13: {  	s15 =	sadd.s32 $0x4F0, s16;
	s24 =	sadd.s32 $0x4E0, s16;
	s10 =	sadd.s32 s21, s11  }
0x14: {  	s11 =	sadd.s32 s20, s11;
	s14 =	sadd.s32 s21, s15;
	s15 =	sadd.s32 s20, s15  }
0x15: {  	s16 =	sadd.s32 s21, s24;
	s17 =	sadd.s32 s20, s24;
	s20 =	sadd.s32 s26, s20  }
0x16: {  	s21 =	sadd.s32 s26, s21;
	s24 =	simm.s32 $0x100;
	s26 =	simm.s32 $0x2  }
.LBB2_1:
0x17: {  	s0 =	rddreg [dreg:$0x5]  }
0x18: {  	s2 =	rddreg [dreg:$0x4];
	s0 =	sshrl.u32 s0, $0x3  }
0x19: {  	[spmem:s0], [sflag:s7] =	dma.local [hbm:s2], $0x2800  }
0x1a: {  	_ =	swait.ge [sflag:s22], $0x2800  }
0x1b: {  	[sflag:s22] =	ssyncset.done $0x0  }
0x1c: {  	[sflag:s22] =	ssyncadd.s32 $0xFFFFD800  }
0x1d: {  	[bflag:$0x0] =	sbarrier.arrive $0xFFFF  }
0x1e: {  	[tilespmem:s4], [sflag:$0x2] =	stream.linear.gather [hbm4b:s8+s4], $0x80, $0x38;
	[tilespmem:$0x18200] =	vst v63  }
0x1f: {  	_ = 	snop  }
0x20: {  	[tilespmem:s23], [sflag:$0x2] =	stream.linear.gather [hbm4b:s9+s4], $0x80, $0x38;
	[tilespmem:$0x18200] =	vst v63  }
0x21: {  	_ = 	snop  }
0x22: {  	[tilespmem:s24], [sflag:$0x3] =	stream.linear.gather [hbm4b:s10+s4], $0x80, $0x38;
	[tilespmem:$0x18200] =	vst v63  }
0x23: {  	_ = 	snop  }
0x24: {  	[tilespmem:s25], [sflag:$0x3] =	stream.linear.gather [hbm4b:s11+s4], $0x80, $0x38;
	[tilespmem:$0x18200] =	vst v63  }
0x25: {  	_ =	swait.ge [sflag:s26], $0x80  }
0x26: {  	[sflag:s26] =	ssyncset.done $0x0  }
0x27: {  	[sflag:s26] =	ssyncadd.s32 $0xFFFFFF80  }
0x28: {  	_ =	swait.ge [sflag:s26], $0x80  }
0x29: {  	[sflag:s26] =	ssyncset.done $0x0  }
0x2a: {  	[sflag:s26] =	ssyncadd.s32 $0xFFFFFF80  }
0x2b: {  	[tilespmem:s28], [sflag:$0x1] =	stream.indirect.gather [hbm4b:s1+s23], $0x80, s4, s23, $0xb8;
	[tilespmem:$0x18200] =	vst v63  }
0x2c: {  	_ =	swait.ge [sflag:s29], $0x4000  }
0x2d: {  	[sflag:s29] =	ssyncset.done $0x0  }
0x2e: {  	[sflag:s29] =	ssyncadd.s32 $0xFFFFC000  }
0x2f: {  	[spmem:s3] =	stream.indirect.scatter.add.f32 [tilespmem:s28], [sflag:$0x4], $0x80, s23, s23, $0xb8;
	[tilespmem:$0x18200] =	vst v63  }
0x30: {  	_ =	swait.ge [sflag:s22], $0x4000  }
0x31: {  	[sflag:s22] =	ssyncset.done $0x0  }
0x32: {  	s6 =	sadd.s32 $0x0, s19;
	[sflag:s22] =	ssyncadd.s32 $0xFFFFC000  }
0x33: {  	[tilespmem:s4], [sflag:$0x2] =	stream.linear.gather [hbm4b:s6+s4], $0x80, $0x38;
	[tilespmem:$0x18200] =	vst v63  }
0x34: {  	s5 =	sadd.s32 $0x0, s18  }
0x35: {  	[tilespmem:s23], [sflag:$0x2] =	stream.linear.gather [hbm4b:s5+s4], $0x80, $0x38;
	[tilespmem:$0x18200] =	vst v63  }
0x36: {  	_ =	swait.ge [sflag:s30], $0x80  }
0x37: {  	[sflag:s30] =	ssyncset.done $0x0  }
0x38: {  	[sflag:s30] =	ssyncadd.s32 $0xFFFFFF80  }
0x39: {  	_ =	swait.ge [sflag:s30], $0x80  }
0x3a: {  	[sflag:s30] =	ssyncset.done $0x0  }
0x3b: {  	[sflag:s30] =	ssyncadd.s32 $0xFFFFFF80  }
0x3c: {  	[tilespmem:s28], [sflag:$0x1] =	stream.indirect.gather [hbm4b:s1+s23], $0x80, s24, s23, $0xb8;
	[tilespmem:$0x18200] =	vst v63  }
0x3d: {  	_ =	swait.ge [sflag:s29], $0x4000  }
0x3e: {  	[sflag:s29] =	ssyncset.done $0x0  }
0x3f: {  	[sflag:s29] =	ssyncadd.s32 $0xFFFFC000  }
0x40: {  	[spmem:s3] =	stream.indirect.scatter.add.f32 [tilespmem:s28], [sflag:$0x4], $0x80, s25, s23, $0xb8;
	[tilespmem:$0x18200] =	vst v63  }
0x41: {  	_ =	swait.ge [sflag:s22], $0x4000  }
0x42: {  	s2 =	simm.s32 $0x20;
	[sflag:s22] =	ssyncset.done $0x0  }
0x43: {  	s6 =	sadd.s32 $0x0, s21;
	s5 =	sadd.s32 $0x0, s20;
	[sflag:s22] =	ssyncadd.s32 $0xFFFFC000  }
0x44: {  	[tilespmem:s24], [sflag:$0x3] =	stream.linear.gather [hbm4b:s6+s4], $0x80, $0x38;
	[tilespmem:$0x18200] =	vst v63  }
.LBB2_2:
0x45: {  	[tilespmem:s25], [sflag:$0x3] =	stream.linear.gather [hbm4b:s5+s4], $0x80, $0x38;
	[tilespmem:$0x18200] =	vst v63  }
0x46: {  	s5 =	smov.u32 s2  }
0x47: {  	p0 =	sne.s32 s2, $0x4A0;
	s2 =	sadd.s32 $0x20, s2;
	_ =	swait.ge [sflag:s26], $0x80  }
0x48: {  	[sflag:s26] =	ssyncset.done $0x0  }
0x49: {  	[sflag:s26] =	ssyncadd.s32 $0xFFFFFF80  }
0x4a: {  	_ =	swait.ge [sflag:s26], $0x80  }
0x4b: {  	[sflag:s26] =	ssyncset.done $0x0  }
0x4c: {  	[sflag:s26] =	ssyncadd.s32 $0xFFFFFF80  }
0x4d: {  	[tilespmem:s28], [sflag:$0x1] =	stream.indirect.gather [hbm4b:s1+s23], $0x80, s4, s23, $0xb8;
	[tilespmem:$0x18200] =	vst v63  }
0x4e: {  	_ =	swait.ge [sflag:s29], $0x4000  }
0x4f: {  	[sflag:s29] =	ssyncset.done $0x0  }
0x50: {  	[sflag:s29] =	ssyncadd.s32 $0xFFFFC000  }
0x51: {  	[spmem:s3] =	stream.indirect.scatter.add.f32 [tilespmem:s28], [sflag:$0x4], $0x80, s23, s23, $0xb8;
	[tilespmem:$0x18200] =	vst v63  }
0x52: {  	_ =	swait.ge [sflag:s22], $0x4000  }
0x53: {  	[sflag:s22] =	ssyncset.done $0x0  }
0x54: {  	s6 =	sadd.s32 s5, s19;
	[sflag:s22] =	ssyncadd.s32 $0xFFFFC000  }
0x55: {  	[tilespmem:s4], [sflag:$0x2] =	stream.linear.gather [hbm4b:s6+s4], $0x80, $0x38;
	[tilespmem:$0x18200] =	vst v63  }
0x56: {  	s6 =	sadd.s32 s5, s18  }
0x57: {  	[tilespmem:s23], [sflag:$0x2] =	stream.linear.gather [hbm4b:s6+s4], $0x80, $0x38;
	[tilespmem:$0x18200] =	vst v63  }
0x58: {  	_ =	swait.ge [sflag:s30], $0x80  }
0x59: {  	[sflag:s30] =	ssyncset.done $0x0  }
0x5a: {  	[sflag:s30] =	ssyncadd.s32 $0xFFFFFF80  }
0x5b: {  	_ =	swait.ge [sflag:s30], $0x80  }
0x5c: {  	[sflag:s30] =	ssyncset.done $0x0  }
0x5d: {  	[sflag:s30] =	ssyncadd.s32 $0xFFFFFF80  }
0x5e: {  	[tilespmem:s28], [sflag:$0x1] =	stream.indirect.gather [hbm4b:s1+s23], $0x80, s24, s23, $0xb8;
	[tilespmem:$0x18200] =	vst v63  }
0x5f: {  	_ =	swait.ge [sflag:s29], $0x4000  }
0x60: {  	[sflag:s29] =	ssyncset.done $0x0  }
0x61: {  	[sflag:s29] =	ssyncadd.s32 $0xFFFFC000  }
0x62: {  	[spmem:s3] =	stream.indirect.scatter.add.f32 [tilespmem:s28], [sflag:$0x4], $0x80, s25, s23, $0xb8;
	[tilespmem:$0x18200] =	vst v63  }
.Ltmp0:
0x63: {  	_ =	swait.ge [sflag:s22], $0x4000;
	(pc) =	sbr.rel @p0 .LBB2_2-.Ltmp0, $4  }
0x64: {  	[sflag:s22] =	ssyncset.done $0x0  }
0x65: {  	s6 =	sadd.s32 s5, s21;
	[sflag:s22] =	ssyncadd.s32 $0xFFFFC000  }
0x66: {  	[tilespmem:s24], [sflag:$0x3] =	stream.linear.gather [hbm4b:s6+s4], $0x80, $0x38;
	[tilespmem:$0x18200] =	vst v63  }
0x67: {  	s5 =	sadd.s32 s5, s20  }
0x68: {  	[tilespmem:s25], [sflag:$0x3] =	stream.linear.gather [hbm4b:s5+s4], $0x80, $0x38;
	[tilespmem:$0x18200] =	vst v63  }
0x69: {  	_ =	swait.ge [sflag:s26], $0x80  }
0x6a: {  	[sflag:s26] =	ssyncset.done $0x0  }
0x6b: {  	[sflag:s26] =	ssyncadd.s32 $0xFFFFFF80  }
0x6c: {  	_ =	swait.ge [sflag:s26], $0x80  }
0x6d: {  	[sflag:s26] =	ssyncset.done $0x0  }
0x6e: {  	[sflag:s26] =	ssyncadd.s32 $0xFFFFFF80  }
0x6f: {  	[tilespmem:s28], [sflag:$0x1] =	stream.indirect.gather [hbm4b:s1+s23], $0x80, s4, s23, $0xb8;
	[tilespmem:$0x18200] =	vst v63  }
0x70: {  	_ =	swait.ge [sflag:s29], $0x4000  }
0x71: {  	[sflag:s29] =	ssyncset.done $0x0  }
0x72: {  	[sflag:s29] =	ssyncadd.s32 $0xFFFFC000  }
0x73: {  	[spmem:s3] =	stream.indirect.scatter.add.f32 [tilespmem:s28], [sflag:$0x4], $0x80, s23, s23, $0xb8;
	[tilespmem:$0x18200] =	vst v63  }
0x74: {  	_ =	swait.ge [sflag:s22], $0x4000  }
0x75: {  	[sflag:s22] =	ssyncset.done $0x0  }
0x76: {  	[sflag:s22] =	ssyncadd.s32 $0xFFFFC000  }
0x77: {  	[tilespmem:s4], [sflag:$0x2] =	stream.linear.gather [hbm4b:s16+s4], $0x80, $0x38;
	[tilespmem:$0x18200] =	vst v63  }
0x78: {  	_ = 	snop  }
0x79: {  	[tilespmem:s23], [sflag:$0x2] =	stream.linear.gather [hbm4b:s17+s4], $0x80, $0x38;
	[tilespmem:$0x18200] =	vst v63  }
0x7a: {  	_ =	swait.ge [sflag:s30], $0x80  }
0x7b: {  	[sflag:s30] =	ssyncset.done $0x0  }
0x7c: {  	[sflag:s30] =	ssyncadd.s32 $0xFFFFFF80  }
0x7d: {  	_ =	swait.ge [sflag:s30], $0x80  }
0x7e: {  	[sflag:s30] =	ssyncset.done $0x0  }
0x7f: {  	[sflag:s30] =	ssyncadd.s32 $0xFFFFFF80  }
0x80: {  	[tilespmem:s28], [sflag:$0x1] =	stream.indirect.gather [hbm4b:s1+s23], $0x80, s24, s23, $0xb8;
	[tilespmem:$0x18200] =	vst v63  }
0x81: {  	_ =	swait.ge [sflag:s29], $0x4000  }
0x82: {  	[sflag:s29] =	ssyncset.done $0x0  }
0x83: {  	[sflag:s29] =	ssyncadd.s32 $0xFFFFC000  }
0x84: {  	[spmem:s3] =	stream.indirect.scatter.add.f32 [tilespmem:s28], [sflag:$0x4], $0x80, s25, s23, $0xb8;
	[tilespmem:$0x18200] =	vst v63  }
0x85: {  	_ =	swait.ge [sflag:s22], $0x4000  }
0x86: {  	[sflag:s22] =	ssyncset.done $0x0  }
0x87: {  	[sflag:s22] =	ssyncadd.s32 $0xFFFFC000  }
0x88: {  	[tilespmem:s24], [sflag:$0x3] =	stream.linear.gather [hbm4b:s14+s4], $0x80, $0x38;
	[tilespmem:$0x18200] =	vst v63  }
0x89: {  	_ = 	snop  }
0x8a: {  	[tilespmem:s25], [sflag:$0x3] =	stream.linear.gather [hbm4b:s15+s4], $0x80, $0x38;
	[tilespmem:$0x18200] =	vst v63  }
0x8b: {  	_ =	swait.ge [sflag:s26], $0x80  }
0x8c: {  	[sflag:s26] =	ssyncset.done $0x0  }
0x8d: {  	[sflag:s26] =	ssyncadd.s32 $0xFFFFFF80  }
0x8e: {  	_ =	swait.ge [sflag:s26], $0x80  }
0x8f: {  	[sflag:s26] =	ssyncset.done $0x0  }
0x90: {  	[sflag:s26] =	ssyncadd.s32 $0xFFFFFF80  }
0x91: {  	[tilespmem:s28], [sflag:$0x1] =	stream.indirect.gather [hbm4b:s1+s23], $0x80, s4, s23, $0xb8;
	[tilespmem:$0x18200] =	vst v63  }
0x92: {  	_ =	swait.ge [sflag:s29], $0x4000  }
0x93: {  	[sflag:s29] =	ssyncset.done $0x0  }
0x94: {  	[sflag:s29] =	ssyncadd.s32 $0xFFFFC000  }
0x95: {  	[spmem:s3] =	stream.indirect.scatter.add.f32 [tilespmem:s28], [sflag:$0x4], $0x80, s23, s23, $0xb8;
	[tilespmem:$0x18200] =	vst v63  }
0x96: {  	_ =	swait.ge [sflag:s22], $0x4000  }
0x97: {  	[sflag:s22] =	ssyncset.done $0x0  }
0x98: {  	[sflag:s22] =	ssyncadd.s32 $0xFFFFC000  }
0x99: {  	[tilespmem:s4], [sflag:$0x2] =	stream.linear.gather [hbm4b:s14+s4], $0x80, $0x38;
	[tilespmem:$0x18200] =	vst v63  }
0x9a: {  	_ = 	snop  }
0x9b: {  	[tilespmem:s23], [sflag:$0x2] =	stream.linear.gather [hbm4b:s15+s4], $0x80, $0x38;
	[tilespmem:$0x18200] =	vst v63  }
0x9c: {  	_ =	swait.ge [sflag:s30], $0x80  }
0x9d: {  	[sflag:s30] =	ssyncset.done $0x0  }
0x9e: {  	[sflag:s30] =	ssyncadd.s32 $0xFFFFFF80  }
0x9f: {  	_ =	swait.ge [sflag:s30], $0x80  }
0xa0: {  	[sflag:s30] =	ssyncset.done $0x0  }
0xa1: {  	[sflag:s30] =	ssyncadd.s32 $0xFFFFFF80  }
0xa2: {  	[tilespmem:s28], [sflag:$0x1] =	stream.indirect.gather [hbm4b:s1+s23], $0x80, s24, s23, $0xb8;
	[tilespmem:$0x18200] =	vst v63  }
0xa3: {  	_ =	swait.ge [sflag:s29], $0x4000  }
0xa4: {  	[sflag:s29] =	ssyncset.done $0x0  }
0xa5: {  	[sflag:s29] =	ssyncadd.s32 $0xFFFFC000  }
0xa6: {  	[spmem:s3] =	stream.indirect.scatter.add.f32 [tilespmem:s28], [sflag:$0x4], $0x80, s25, s23, $0xb8;
	[tilespmem:$0x18200] =	vst v63  }
0xa7: {  	_ =	swait.ge [sflag:s22], $0x4000  }
0xa8: {  	[sflag:s22] =	ssyncset.done $0x0  }
0xa9: {  	[sflag:s22] =	ssyncadd.s32 $0xFFFFC000  }
0xaa: {  	[tilespmem:s24], [sflag:$0x3] =	stream.linear.gather [hbm4b:s14+s4], $0x80, $0x38;
	[tilespmem:$0x18200] =	vst v63  }
0xab: {  	_ = 	snop  }
0xac: {  	[tilespmem:s25], [sflag:$0x3] =	stream.linear.gather [hbm4b:s15+s4], $0x80, $0x38;
	[tilespmem:$0x18200] =	vst v63  }
0xad: {  	_ =	swait.ge [sflag:s26], $0x80  }
0xae: {  	[sflag:s26] =	ssyncset.done $0x0  }
0xaf: {  	[sflag:s26] =	ssyncadd.s32 $0xFFFFFF80  }
0xb0: {  	_ =	swait.ge [sflag:s26], $0x80  }
0xb1: {  	[sflag:s26] =	ssyncset.done $0x0  }
0xb2: {  	[sflag:s26] =	ssyncadd.s32 $0xFFFFFF80  }
0xb3: {  	_ =	swait.ge [sflag:s30], $0x80  }
0xb4: {  	[sflag:s30] =	ssyncset.done $0x0  }
0xb5: {  	[sflag:s30] =	ssyncadd.s32 $0xFFFFFF80  }
0xb6: {  	_ =	swait.ge [sflag:s30], $0x80  }
0xb7: {  	s31 =	sadd.s32 $0x1, s31;
	[sflag:s30] =	ssyncset.done $0x0  }
0xb8: {  	p0 =	sne.s32 s31, s13;
	[sflag:s30] =	ssyncadd.s32 $0xFFFFFF80  }
.Ltmp1:
0xb9: {  	[bflag:$0x0] =	sbarrier.arrive $0xFFFF;
	(pc) =	sbr.rel @p0 .LBB2_1-.Ltmp1, $4  }
0xba: {  	[hbm:s12], [sflag:s7] =	dma.local [spmem:s0], $0x2800  }
0xbb: {  	_ =	swait.ge [sflag:s22], $0x2800  }
0xbc: {  	[sflag:s22] =	ssyncset.done $0x0  }
0xbd: {  	[sflag:s22] =	ssyncadd.s32 $0xFFFFD800  }
0xbe: {  	_ =	sfence.sel $0x180000  }
0xbf: {  	[bflag:$0x0] =	sbarrier.arrive $0xFFFF  }
0xc0: {  	_ =	strace $0x9000004D  }
0xc1: {  	s0 =	stileid.u32;
	[bflag:$0x2] =	sbarrier.arrive $0xFFFF  }
0xc2: {  	p0 =	sne.s32 s0, $0x0;
	s0 =	rddreg [dreg:$0x3]  }
0xc3: {  	s0 =	sadd.s32 @!p0 $0x100000, s0  }
0xc4: {  	[sflag:s0] =	ssyncadd.tile.s32 @!p0 $0x1;
	_ =	shalt  }
.Lfunc_end2:
_tile_overlayer_lowered:
.L_overlay_start_2:
0xc5: {  	(tag) =	ssettag $0x2  }
0xc6: {  	s0 =	rddreg [dreg:$0x0];
	s2 =	stileid.u32  }
0xc7: {  	s1 =	rddreg [dreg:$0x1];
	p0 =	sne.s32 s2, $0x0  }
0xc8: {  	s3 =	rddreg [dreg:$0x2];
	[bflag:$0x3] =	sbarrier.arrive $0xFFFF;
	s2 =	simm.s32 @!p0 $0x1C04  }
0xc9: {  	[timem:s3], [sflag:s2] =	dma.local @!p0 [hbm:s0], s1  }
0xca: {  	s0 =	simm.s32 @!p0 $0x4  }
0xcb: {  	_ =	swait.ge @!p0 [sflag:s0], s1  }
0xcc: {  	s1 =	ssub.s32 @!p0 $0x0, s1;
	[sflag:s0] =	ssyncset.done @!p0 $0x0  }
0xcd: {  	[sflag:s0] =	ssyncadd.s32 @!p0 s1  }
0xce: {  	[bflag:$0x3] =	sbarrier.arrive $0xFFFF  }
0xcf: {  	_ =	shalt  }

// kernel: kernel.7.cloned.1.call-start
scs
__scs_entry_jumppad:
0x0: {  	(pc) =	sbr.rel $0x88, $3  }
0x1: {  	(tag) =	ssettag $0x0;
	lr =	simm.s32 $0x1  }
0x2: {  	[smem:$0x3F99] =	sst lr;
	_ =	strace $0xD0000000  }
0x3: {  	_ = 	snop  }
0x4: {  	_ = 	snop  }
0x5: {  	_ = 	snop  }
0x6: {  	_ = 	snop  }
0x7: {  	_ = 	snop  }
__scs_overlays_trampoline_lowered:
0x8: {  	[smem:$0x3FA8] =	sst s0  }
0x9: {  	[smem:$0x3FA9] =	sst s1  }
0xa: {  	[smem:$0x3FAA] =	sst s2  }
0xb: {  	[smem:$0x3FAB] =	sst s3  }
0xc: {  	[smem:$0x3FAC] =	sst s4  }
0xd: {  	[smem:$0x3FAD] =	sst s5  }
0xe: {  	[smem:$0x3FAE] =	sst s6  }
0xf: {  	[smem:$0x3FAF] =	sst s7  }
0x10: {  	[smem:$0x3FB0] =	sst s8  }
0x11: {  	[smem:$0x3FB1] =	sst s9;
	s0 =	simm.s32 @!p0 $0x0  }
0x12: {  	s1 =	sld [smem:$0x3F97];
	s0 =	simm.s32 @p0 $0x1  }
0x13: {  	[smem:$0x3FB2] =	sst s0;
	s0 =	simm.s32 @!p1 $0x0  }
0x14: {  	s2 =	sld [smem:$0x3F96];
	s0 =	simm.s32 @p1 $0x1  }
0x15: {  	[smem:$0x3FB3] =	sst s0;
	s0 =	simm.s32 @!p2 $0x0  }
0x16: {  	s3 =	sld [smem:$0x3FDB];
	s0 =	simm.s32 @p2 $0x1  }
0x17: {  	s4 =	simm.s32 $0x1BF5;
	[smem:$0x3FB5] =	sst s0  }
0x18: {  	s0 =	sld [smem:$0x3F98];
	_ =	swait.ge [sflag:s4], $0x0  }
0x19: {  	s7 =	sld [smem:$0x3F99]  }
0x1a: {  	s8 =	sadd.s32 $0xFFFFE003, lr  }
0x1b: {  	s9 =	sadd.s32 $0xFFFFFEF7, lr;
	s5 =	simm.s32 $0xFFFFFFFF;
	p2 =	slt.u32 s8, $0xFFFFF086  }
0x1c: {  	p1 =	slt.u32 s9, $0xF7A;
	s5 =	simm.s32 @!p2 $0x0  }
0x1d: {  	s5 =	simm.s32 @p1 $0x1;
	p0 =	seq.s32 s7, s2  }
0x1e: {  	s7 =	smul.u32 @!p0 $0xF7A, s2;
	p2 =	seq.s32 @!p0 s5, $0x0  }
0x1f: {  	s9 =	smul.u32 $0xF7A, s1;
	s8 =	simm.s32 @!p0 $0x1BF5;
	p2 =	por !p2, p0  }
0x20: {  	[sflag:s8] =	ssyncset.s32 @!p0 $0xFFFFF086;
	s6 =	sadd.s32 @!p0 s3, s7;
	s7 =	simm.s32 @!p0 $0x108  }
0x21: {  	s3 =	sadd.s32 s3, s9;
	s6 =	sadd.s32 @!p0 $0x88, s6;
	s7 =	simm.s32 @p2 $0x1082  }
0x22: {  	[simem:s7], [sflag:s8] =	dma.local @!p0 [hbm:s6], $0xF7A  }
0x23: {  	s9 =	sor.u32 $0xD0000000, s2;
	s6 =	simm.s32 $0x108;
	_ =	swait.ge @!p0 [sflag:s8], $0x0  }
0x24: {  	s3 =	sadd.s32 $0x88, s3;
	s6 =	simm.s32 @!p1 $0x1082;
	[sflag:s4] =	ssyncset.s32 $0xFFFFF086  }
0x25: {  	[simem:s6], [sflag:s4] =	dma.local [hbm:s3], $0xF7A  }
0x26: {  	[smem:$0x3F99] =	sst s1;
	(tag) =	ssettag s2;
	_ =	strace s9  }
0x27: {  	s1 =	sld [smem:$0x3FA9]  }
0x28: {  	s2 =	sld [smem:$0x3FAA]  }
0x29: {  	s4 =	sld [smem:$0x3FAC]  }
0x2a: {  	p0 =	seq.s32 s5, $0x0;
	s5 =	sld [smem:$0x3FAD]  }
0x2b: {  	s6 =	sld [smem:$0x3FAE]  }
0x2c: {  	s7 =	sld [smem:$0x3FAF]  }
0x2d: {  	s3 =	simm.s32 $0x108;
	s8 =	sld [smem:$0x3FB0]  }
0x2e: {  	s3 =	simm.s32 @!p0 $0x1082;
	s9 =	sld [smem:$0x3FB1]  }
0x2f: {  	lr =	sadd.s32 s0, s3;
	s0 =	sld [smem:$0x3FA8]  }
0x30: {  	s3 =	sld [smem:$0x3FAB]  }
0x31: {  	[smem:$0x3FB4] =	sst s10  }
0x32: {  	s10 =	sld [smem:$0x3FB2];
	_ =	sdelay $0x3  }
0x33: {  	p0 =	seq.s32 s10, $0x1;
	s10 =	sld [smem:$0x3FB4];
	_ =	sdelay $0x3  }
0x34: {  	[smem:$0x3FB4] =	sst s10  }
0x35: {  	s10 =	sld [smem:$0x3FB3];
	_ =	sdelay $0x3  }
0x36: {  	p1 =	seq.s32 s10, $0x1;
	s10 =	sld [smem:$0x3FB4];
	_ =	sdelay $0x3  }
0x37: {  	[smem:$0x3FB4] =	sst s10  }
0x38: {  	s10 =	sld [smem:$0x3FB5]  }
0x39: {  	_ = 	snop;
	(pc) =	sbr.ind lr, $3  }
0x3a: {  	_ = 	snop  }
0x3b: {  	_ = 	snop  }
0x3c: {  	p2 =	seq.s32 s10, $0x1;
	s10 =	sld [smem:$0x3FB4]  }
0x3d: {  	_ =	shalt  }
0x3e: {  	_ =	shalt  }
0x3f: {  	_ =	shalt  }
0x40: {  	_ =	shalt  }
0x41: {  	_ =	shalt  }
0x42: {  	_ =	shalt  }
0x43: {  	_ =	shalt  }
0x44: {  	_ =	shalt  }
0x45: {  	_ =	shalt  }
0x46: {  	_ =	shalt  }
0x47: {  	_ =	shalt  }
0x48: {  	_ =	shalt  }
0x49: {  	_ =	shalt  }
0x4a: {  	_ =	shalt  }
0x4b: {  	_ =	shalt  }
0x4c: {  	_ =	shalt  }
0x4d: {  	_ =	shalt  }
0x4e: {  	_ =	shalt  }
0x4f: {  	_ =	shalt  }
0x50: {  	_ =	shalt  }
0x51: {  	_ =	shalt  }
0x52: {  	_ =	shalt  }
0x53: {  	_ =	shalt  }
0x54: {  	_ =	shalt  }
0x55: {  	_ =	shalt  }
0x56: {  	_ =	shalt  }
0x57: {  	_ =	shalt  }
0x58: {  	_ =	shalt  }
0x59: {  	_ =	shalt  }
0x5a: {  	_ =	shalt  }
0x5b: {  	_ =	shalt  }
0x5c: {  	_ =	shalt  }
0x5d: {  	_ =	shalt  }
0x5e: {  	_ =	shalt  }
0x5f: {  	_ =	shalt  }
0x60: {  	_ =	shalt  }
0x61: {  	_ =	shalt  }
0x62: {  	_ =	shalt  }
0x63: {  	_ =	shalt  }
0x64: {  	_ =	shalt  }
0x65: {  	_ =	shalt  }
0x66: {  	_ =	shalt  }
0x67: {  	_ =	shalt  }
0x68: {  	_ =	shalt  }
0x69: {  	_ =	shalt  }
0x6a: {  	_ =	shalt  }
0x6b: {  	_ =	shalt  }
0x6c: {  	_ =	shalt  }
0x6d: {  	_ =	shalt  }
0x6e: {  	_ =	shalt  }
0x6f: {  	_ =	shalt  }
0x70: {  	_ =	shalt  }
0x71: {  	_ =	shalt  }
0x72: {  	_ =	shalt  }
0x73: {  	_ =	shalt  }
0x74: {  	_ =	shalt  }
0x75: {  	_ =	shalt  }
0x76: {  	_ =	shalt  }
0x77: {  	_ =	shalt  }
0x78: {  	_ =	shalt  }
0x79: {  	_ =	shalt  }
0x7a: {  	_ =	shalt  }
0x7b: {  	_ =	shalt  }
0x7c: {  	_ =	shalt  }
0x7d: {  	_ =	shalt  }
0x7e: {  	_ =	shalt  }
0x7f: {  	_ =	shalt  }
0x80: {  	_ =	shalt  }
0x81: {  	_ =	shalt  }
0x82: {  	_ =	shalt  }
0x83: {  	_ =	shalt  }
0x84: {  	_ =	shalt  }
0x85: {  	_ =	shalt  }
0x86: {  	_ =	shalt  }
0x87: {  	_ =	shalt  }
.Lfunc_end0:
.L_simem_size_0:
called_computation_lowered:
.L_overlay_start_0:
0x88: {  	s2 =	sld [smem:$0x3FD9]  }
0x89: {  	s3 =	sld [smem:$0x3FFE];
	_ =	sdelay $0x1  }
0x8a: {  	s1 =	srdreg.scid  }
0x8b: {  	s0 =	sand.u32 $0x1, s1  }
0x8c: {  	s17 =	sshll.u32 s0, $0xA;
	s2 =	sadd.s32 s3, s2  }
0x8d: {  	s2 =	sadd.s32 s2, s17  }
0x8e: {  	[smem:$0x3FC0] =	sst s2  }
0x8f: {  	_ = 	snop  }
0x90: {  	s18 =	sld [smem:$0x3FD0];
	(tm) =	ssettm $0x1  }
0x91: {  	s19 =	sld [smem:$0x3FFB];
	_ =	sdelay $0x3  }
0x92: {  	_ =	strace s19  }
0x93: {  	s2 =	sld [smem:$0x3FFC];
	_ =	sdelay $0x3  }
0x94: {  	_ =	strace s2  }
0x95: {  	s2 =	sld [smem:$0x3FFD];
	_ =	sdelay $0x3  }
0x96: {  	_ =	strace s2  }
0x97: {  	_ =	strace $0x8FFFFFFF  }
0x98: {  	s20 =	sld [smem:$0x3FDB];
	_ =	sdelay $0x1  }
0x99: {  	s4 =	simm.s32 $_scs_section_size  }
0x9a: {  	s5 =	simm.s32 $_size__tile_overlayer_lowered;
	s6 =	simm.s32 $_tile_overlayer_lowered  }
0x9b: {  	s7 =	simm.s32 $0x1BFF;
	s21 =	sshll.u32 s6, $0x1;
	s4 =	sadd.s32 s4, s20  }
0x9c: {  	s22 =	simm.s32 $0x0;
	s5 =	sshll.u32 s5, $0x1;
	s6 =	sadd.s32 s21, s4  }
0x9d: {  	[timem:s22], [sflag:s7] =	dma.local [hbm:s6], s5  }
0x9e: {  	_ =	swait.ge [sflag:s7], s5  }
0x9f: {  	s5 =	ssub.s32 $0x0, s5;
	[sflag:s7] =	ssyncset.done $0x0  }
0xa0: {  	[sflag:s7] =	ssyncadd.s32 s5;
	_ =	sdelay $0x1  }
0xa1: {  	s23 =	simm.s32 $0x1B8B  }
0xa2: {  	_ =	swait.ge [sflag:s23], $0x1  }
0xa3: {  	[sflag:s23] =	ssyncset.done $0x0  }
0xa4: {  	[sflag:s23] =	ssyncadd.s32 $0xFFFFFFFF  }
0xa5: {  	s5 =	sld [smem:$0x0]  }
0xa6: {  	s6 =	sand.u32 $0xFFFFFFFE, s1  }
0xa7: {  	p0 =	sne.s32 s1, s6  }
0xa8: {  	s6 =	sshll.u32 @p0 s6, $0xE  }
0xa9: {  	s6 =	sadd.s32 @p0 $0x11B8D, s6;
	s7 =	sshll.u32 @p0 s5, $0x11  }
0xaa: {  	s6 =	sor.u32 @p0 s7, s6  }
0xab: {  	[sflag:s6] =	ssyncadd.remote.s32 @p0 $0x1;
	_ =	sdelay $0x1  }
0xac: {  	s6 =	simm.s32 @p0 $0x1B8D  }
0xad: {  	_ =	swait.eq @p0 [sflag:s6], $0x1  }
0xae: {  	[sflag:s6] =	ssyncadd.s32 @p0 $0xFFFFFFFF  }
0xaf: {  	s7 =	sshll.u32 @!p0 s1, $0xE  }
0xb0: {  	s7 =	sor.u32 @!p0 $0x4000, s7;
	s6 =	simm.s32 @!p0 $0x1B8D  }
0xb1: {  	s5 =	sshll.u32 @!p0 s5, $0x11;
	s7 =	sadd.s32 @!p0 $0x11B8D, s7;
	_ =	swait.eq @!p0 [sflag:s6], $0x1  }
0xb2: {  	s5 =	sor.u32 @!p0 s5, s7;
	[sflag:s6] =	ssyncadd.s32 @!p0 $0xFFFFFFFF  }
0xb3: {  	s25 =	simm.s32 $0x1B8E;
	s24 =	sld [smem:$0x3FFE];
	[sflag:s5] =	ssyncadd.remote.s32 @!p0 $0x1  }
0xb4: {  	s26 =	simm.s32 $execute0_lowered;
	[smem:$0x3FD2] =	sst s25  }
0xb5: {  	s6 =	sshll.u32 s26, $0x1;
	_ =	strace $0x80000049;
	[dreg:$0x1] =	wrdreg $0xFFFFFFFF  }
0xb6: {  	s28 =	simm.s32 $_size_execute0_lowered;
	s4 =	sadd.s32 s4, s6;
	[dreg:$0x0] =	wrdreg $0x0  }
0xb7: {  	s6 =	sshll.u32 s28, $0x1;
	[dreg:$0x2] =	wrdreg s4  }
0xb8: {  	[dreg:$0x3] =	wrdreg s6  }
0xb9: {  	[dreg:$0x4] =	wrdreg $0xC0  }
0xba: {  	_ =	task [dreg:s22], $0x5FFFF  }
0xbb: {  	[dreg:$0x1] =	wrdreg $0xFFFFFFFF  }
0xbc: {  	[dreg:$0x0] =	wrdreg $0x60  }
0xbd: {  	[dreg:$0x2] =	wrdreg s24  }
0xbe: {  	[dreg:$0x3] =	wrdreg s18  }
0xbf: {  	[dreg:$0x4] =	wrdreg $0x40800  }
0xc0: {  	[dreg:$0x5] =	wrdreg $0x9  }
0xc1: {  	_ =	task.clear_ibuf [dreg:s22], $0x6FFFF;
	_ =	strace $0x90000049  }
0xc2: {  	s29 =	simm.s32 $0x9;
	_ =	strace $0x8000004B  }
0xc3: {  	_ =	swait.ge [sflag:s29], $0x1  }
0xc4: {  	[sflag:s29] =	ssyncadd.s32 $0xFFFFFFFF  }
0xc5: {  	_ =	strace $0x9000004B  }
0xc6: {  	_ =	sfence  }
0xc7: {  	s30 =	sld [smem:$0x0];
	_ =	sdelay $0x2  }
0xc8: {  	s31 =	sshll.u32 s1, $0xD;
	s1 =	sshrl.u32 s1, $0x2  }
0xc9: {  	s4 =	sand.u32 $0x4000, s31;
	s1 =	sadd.s32 s1, s30  }
0xca: {  	s0 =	sor.u32 s4, s0;
	s1 =	sshll.u32 s1, $0x11  }
0xcb: {  	s0 =	sor.u32 s1, s0  }
0xcc: {  	s0 =	sadd.s32 $0x8F2B, s0  }
0xcd: {  	[sflag:s0] =	ssyncadd.remote.s32 $0x1  }
0xce: {  	_ =	sfence.sel $0xFFFF  }
0xcf: {  	[dreg:$0x0] =	wrdreg $0xFFFFFFFF;
	(pc) =	sbr.abs _section_cstart, $3  }
0xd0: {  	[dreg:$0x1] =	wrdreg $0xFFFFFFFF  }
0xd1: {  	_ =	task.clear_ibuf [dreg:s22], $0x2FFFF;
	_ =	strace $0x9FFFFFFF  }
0xd2: {  	(tm) =	ssettm $0x7FFFFFFF  }
0xd3: {  	_ =	shalt  }
tec
execute0_lowered:
.L_overlay_start_1:
0x0: {  	(tag) =	ssettag $0x1  }
0x1: {  	s6 =	rddreg [dreg:$0x0]  }
0x2: {  	s1 =	rddreg [dreg:$0x1];
	s2 =	stileid.u32  }
0x3: {  	s0 =	srdreg.scid;
	s8 =	smul.u32 $0x2800, s2  }
0x4: {  	s3 =	rddreg [dreg:$0x2];
	s4 =	simm.s32 $0x0;
	s28 =	smul.u32 $0x50000, s2  }
0x5: {  	s7 =	sand.u32 $0x1, s0;
	s0 =	rddreg [dreg:$0x3];
	s11 =	smul.u32 $0x500, s2  }
0x6: {  	[smem:$0x7FF] =	sst s4;
	s5 =	smul.u32 $0x5000, s7  }
0x7: {  	s30 =	sshll.u32 s2, $0x6;
	s9 =	smul.u32 $0x28000, s7;
	s29 =	ssub.s32 $0x2, s7  }
0x8: {  	_ =	strace $0x8000004A;
	s7 =	sshrl.u32 s29, $0x1;
	s10 =	sadd.s32 s5, s6  }
0x9: {  	s8 =	sadd.s32 s8, s9;
	s5 =	sadd.s32 $0x16600, s6;
	s9 =	sshrl.u32 s28, $0x2  }
0xa: {  	s12 =	ssub.s32 s29, s7;
	s8 =	sadd.s32 s8, s6;
	s13 =	sadd.s32 s9, s3  }
0xb: {  	s6 =	sor.u32 $0x1C01, s30;
	s31 =	sadd.s32 s11, s10;
	s11 =	simm.s32 $0x1  }
0xc: {  	s7 =	sadd.s32 $0x68E00, s8;
	s8 =	smax.u32 s12, $0x1;
	s9 =	sadd.s32 $0x2600, s31  }
0xd: {  	s10 =	sshrl.u32 s13, $0x3;
	s12 =	simm.s32 $0x80;
	s13 =	simm.s32 $0x0  }
.LBB2_1:
0xe: {  	[spmem:s10], [sflag:s6] =	dma.local [hbm:s5], $0x2800  }
0xf: {  	_ =	swait.ge [sflag:s11], $0x2800  }
0x10: {  	[sflag:s11] =	ssyncset.done $0x0  }
0x11: {  	[sflag:s11] =	ssyncadd.s32 $0xFFFFD800  }
0x12: {  	[tilespmem:s12], [sflag:$0x1] =	stream.linear.gather [hbm4b:s1+s4], $0x4000, $0x38;
	[tilespmem:$0x18080] =	vst v63  }
0x13: {  	_ =	swait.ge [sflag:s11], $0x4000  }
0x14: {  	[sflag:s11] =	ssyncset.done $0x0  }
0x15: {  	[sflag:s11] =	ssyncadd.s32 $0xFFFFC000  }
0x16: {  	s14 =	sadd.s32 $0x0, s9;
	[bflag:$0x0] =	sbarrier.arrive $0xFFFF  }
0x17: {  	[tilespmem:s4], [sflag:$0x1] =	stream.linear.gather [hbm4b:s14+s4], $0x80, $0x38;
	[tilespmem:$0x18080] =	vst v63  }
0x18: {  	_ =	swait.ge [sflag:s11], $0x80  }
0x19: {  	[sflag:s11] =	ssyncset.done $0x0  }
0x1a: {  	[sflag:s11] =	ssyncadd.s32 $0xFFFFFF80  }
0x1b: {  	[spmem:s3] =	stream.indirect.scatter.add.f32 [tilespmem:s12], [sflag:$0x1], $0x80, s4, s12, $0xb8;
	[tilespmem:$0x18080] =	vst v63  }
0x1c: {  	_ =	swait.ge [sflag:s11], $0x4000  }
0x1d: {  	s15 =	simm.s32 $0x20;
	s14 =	simm.s32 $0x10;
	[sflag:s11] =	ssyncset.done $0x0  }
.LBB2_2:
0x1e: {  	s16 =	sadd.s32 s14, s9  }
0x1f: {  	[sflag:s11] =	ssyncadd.s32 $0xFFFFC000;
	s14 =	smov.u32 s15;
	s17 =	sadd.s32 $0x10, s15  }
0x20: {  	[tilespmem:s4], [sflag:$0x1] =	stream.linear.gather [hbm4b:s16+s4], $0x80, $0x38;
	[tilespmem:$0x18080] =	vst v63  }
0x21: {  	p0 =	sne.s32 s15, $0x4F0;
	_ =	swait.ge [sflag:s11], $0x80  }
.Ltmp0:
0x22: {  	[sflag:s11] =	ssyncset.done $0x0;
	(pc) =	sbr.rel @p0 .LBB2_2-.Ltmp0, $4  }
0x23: {  	[sflag:s11] =	ssyncadd.s32 $0xFFFFFF80  }
0x24: {  	[spmem:s3] =	stream.indirect.scatter.add.f32 [tilespmem:s12], [sflag:$0x1], $0x80, s4, s12, $0xb8;
	[tilespmem:$0x18080] =	vst v63  }
0x25: {  	_ =	swait.ge [sflag:s11], $0x4000  }
0x26: {  	s15 =	smov.u32 s17;
	[sflag:s11] =	ssyncset.done $0x0  }
0x27: {  	s14 =	sadd.s32 s14, s9;
	[sflag:s11] =	ssyncadd.s32 $0xFFFFC000  }
0x28: {  	[tilespmem:s4], [sflag:$0x1] =	stream.linear.gather [hbm4b:s14+s4], $0x80, $0x38;
	[tilespmem:$0x18080] =	vst v63  }
0x29: {  	_ =	swait.ge [sflag:s11], $0x80  }
0x2a: {  	[sflag:s11] =	ssyncset.done $0x0  }
0x2b: {  	[sflag:s11] =	ssyncadd.s32 $0xFFFFFF80  }
0x2c: {  	[spmem:s3] =	stream.indirect.scatter.add.f32 [tilespmem:s12], [sflag:$0x1], $0x80, s4, s12, $0xb8;
	[tilespmem:$0x18080] =	vst v63  }
0x2d: {  	_ =	swait.ge [sflag:s11], $0x4000  }
0x2e: {  	s13 =	sadd.s32 $0x1, s13;
	[sflag:s11] =	ssyncset.done $0x0  }
0x2f: {  	p0 =	sne.s32 s13, s8;
	[sflag:s11] =	ssyncadd.s32 $0xFFFFC000  }
.Ltmp1:
0x30: {  	[bflag:$0x0] =	sbarrier.arrive $0xFFFF;
	(pc) =	sbr.rel @p0 .LBB2_1-.Ltmp1, $4  }
0x31: {  	[hbm:s7], [sflag:s6] =	dma.local [spmem:s10], $0x2800  }
0x32: {  	_ =	swait.ge [sflag:s11], $0x2800  }
0x33: {  	[sflag:s11] =	ssyncset.done $0x0  }
0x34: {  	[sflag:s11] =	ssyncadd.s32 $0xFFFFD800  }
0x35: {  	_ =	sfence.sel $0x180000  }
0x36: {  	[bflag:$0x0] =	sbarrier.arrive $0xFFFF  }
0x37: {  	p0 =	sne.s32 s2, $0x0;
	_ =	strace $0x9000004A  }
0x38: {  	s0 =	sadd.s32 @!p0 $0x100000, s0;
	[bflag:$0x2] =	sbarrier.arrive $0xFFFF  }
0x39: {  	[sflag:s0] =	ssyncadd.tile.s32 @!p0 $0x1;
	_ =	shalt  }
.Lfunc_end2:
_tile_overlayer_lowered:
.L_overlay_start_2:
0x3a: {  	(tag) =	ssettag $0x2  }
0x3b: {  	s0 =	rddreg [dreg:$0x0];
	s2 =	stileid.u32  }
0x3c: {  	s1 =	rddreg [dreg:$0x1];
	p0 =	sne.s32 s2, $0x0  }
0x3d: {  	s3 =	rddreg [dreg:$0x2];
	[bflag:$0x3] =	sbarrier.arrive $0xFFFF;
	s2 =	simm.s32 @!p0 $0x1C01  }
0x3e: {  	[timem:s3], [sflag:s2] =	dma.local @!p0 [hbm:s0], s1  }
0x3f: {  	s0 =	simm.s32 @!p0 $0x1  }
0x40: {  	_ =	swait.ge @!p0 [sflag:s0], s1  }
0x41: {  	s1 =	ssub.s32 @!p0 $0x0, s1;
	[sflag:s0] =	ssyncset.done @!p0 $0x0  }
0x42: {  	[sflag:s0] =	ssyncadd.s32 @!p0 s1  }
0x43: {  	[bflag:$0x3] =	sbarrier.arrive $0xFFFF  }
0x44: {  	_ =	shalt  }

</sc_bundles>
